<compile_context>
chip_gen: v7x
topology: tpu7x:2x2x1
jax: 0.10.2.dev20260603
libtpu: 0.0.44.dev20260713+nightly
codegen_flags: <defaults>
</compile_context>

<pallas_src>
import functools

import jax
import jax.numpy as jnp
from jax import lax
from jax.experimental import pallas as pl
from jax.experimental.pallas import tpu as pltpu
from jax.experimental.pallas import tpu_sc as plsc

B = 16384
N_SPARSE = 26
N_DENSE = 13
N_COLS = N_SPARSE + N_DENSE
VOCAB = 1000000

NC = 2
NS = 16
NW = NC * NS
RPW = B // NW
NCHUNK = RPW // 16
IDX_TOTAL = N_SPARSE * RPW
DMA_CHUNK = 128
DMA_PER_FIELD = RPW // DMA_CHUNK


def _body(inputs_hbm, table_hbm, w_hbm, out_hbm,
          in_v, gath_v, out_v, w_v, sem, insem):
    wid = lax.axis_index("s") * NC + lax.axis_index("c")
    base = pl.multiple_of(wid * RPW, RPW)

    for col in range(N_COLS):
        pltpu.async_copy(
            inputs_hbm.at[pl.ds(col * B + base, RPW)],
            in_v.at[pl.ds(col * RPW, RPW)],
            insem)
    pltpu.sync_copy(w_hbm, w_v)
    pltpu.make_async_copy(
        inputs_hbm.at[pl.ds(0, N_COLS * RPW)], in_v, insem).wait()

    def build_field(f, carry):
        off_f = pl.multiple_of(f * RPW, RPW)
        src = table_hbm.at[f, 0]
        for j in range(DMA_PER_FIELD):
            s = pl.ds(off_f + j * DMA_CHUNK, DMA_CHUNK)
            pltpu.async_copy(src.at[in_v.at[s]], gath_v.at[s], sem)
        return carry

    lax.fori_loop(0, N_SPARSE, build_field, 0)

    pltpu.make_async_copy(
        table_hbm.at[0, 0].at[pl.ds(0, IDX_TOTAL)], gath_v, sem).wait()

    def reduce_chunk(c, carry):
        c16 = pl.multiple_of(c * 16, 16)
        acc = gath_v[pl.ds(c16, 16)]
        for f in range(1, N_SPARSE):
            acc = acc + gath_v[pl.ds(f * RPW + c16, 16)]
        for d in range(N_DENSE):
            dv = in_v[pl.ds((N_SPARSE + d) * RPW + c16, 16)]
            acc = acc + dv.astype(jnp.float32) * w_v[pl.ds(d * 16, 16)]
        out_v[pl.ds(c16, 16)] = acc
        return carry

    lax.fori_loop(0, NCHUNK, reduce_chunk, 0)

    pltpu.sync_copy(out_v, out_hbm.at[pl.ds(base, RPW)])


@functools.cache
def _sc_call():
    return pl.kernel(
        _body,
        mesh=plsc.VectorSubcoreMesh(
            core_axis_name="c", subcore_axis_name="s", num_cores=NC),
        out_type=jax.ShapeDtypeStruct((B,), jnp.float32),
        compiler_params=pltpu.CompilerParams(
            needs_layout_passes=False, use_tc_tiling_on_sc=True),
        scratch_types=[
            pltpu.VMEM((RPW * N_COLS,), jnp.int32),
            pltpu.VMEM((IDX_TOTAL,), jnp.float32),
            pltpu.VMEM((RPW,), jnp.float32),
            pltpu.VMEM((N_DENSE * 16,), jnp.float32),
            pltpu.SemaphoreType.DMA,
            pltpu.SemaphoreType.DMA,
        ],
    )


def kernel(inputs, emb_tables, dense_weight):
    in_flat = inputs.T.reshape(-1)
    table3 = emb_tables.reshape(N_SPARSE, 1, VOCAB)
    w_pad = jnp.broadcast_to(
        dense_weight.reshape(N_DENSE, 1), (N_DENSE, 16)).reshape(-1)
    out = _sc_call()(in_flat, table3, w_pad)
    return out.reshape(B, 1)

# --- scband reference (transcript-rebuilt; emitter-appended) ---
"""Pipeline reference for scband-linear-8022998909719 (READ-ONLY COPY).

The authoritative reference and input builder live on the scoring server;
editing this copy changes nothing except your own understanding.
"""

import jax, jax.numpy as jnp
import numpy as np

B = 16384
N_SPARSE = 26
N_DENSE = 13
VOCAB = 1000000
INIT_STD = 1e-4


def setup_inputs(seed: int = 0) -> dict:
    key = jax.random.key(seed)
    k1, k2, k3 = jax.random.split(key, 3)
    # Single packed input tensor: first 26 cols are sparse feature ids, last 13 are dense values.
    inputs = jax.random.randint(k1, (B, N_SPARSE + N_DENSE), 0, VOCAB, dtype=jnp.int32)
    # Linear layer uses embedding_dim=1 per sparse feature (one table per field).
    emb_tables = jax.random.normal(k2, (N_SPARSE, VOCAB, 1), dtype=jnp.float32) * INIT_STD
    # Dense linear weight: sum of dense dims (13) x 1
    dense_weight = jax.random.normal(k3, (N_DENSE, 1), dtype=jnp.float32) * INIT_STD
    return {"inputs": inputs, "emb_tables": emb_tables, "dense_weight": dense_weight}


def reference(inputs, emb_tables, dense_weight):
    # Features.transform: split packed inputs into sparse id lookups and dense values.
    sparse_idx = inputs[:, :N_SPARSE]                     # [B, 26] int ids
    dense_vals = inputs[:, N_SPARSE:].astype(jnp.float32)  # [B, 13]
    # Per-field embedding lookup -> list of [B, 1, 1] tensors in torch; vectorized gather here.
    field_ids = jnp.arange(N_SPARSE)
    gathered = emb_tables[field_ids[None, :], sparse_idx]  # [B, 26, 1]
    # torch.cat(sparse_emb_list, dim=-1) -> [B, 1, 26]; sum over last dim -> [B, 1]
    sparse_emb_cat = gathered.reshape(inputs.shape[0], 1, N_SPARSE)
    sparse_logit = jnp.sum(sparse_emb_cat, axis=-1)        # [B, 1]
    # dense_value_cat.matmul(self.weight)
    dense_logit = dense_vals @ dense_weight                # [B, 1]
    linear_logit = jnp.zeros((inputs.shape[0], 1), dtype=jnp.float32)
    linear_logit = linear_logit + sparse_logit + dense_logit
    return linear_logit

if __name__ == "__main__":
    import jax
    _d = setup_inputs()
    print(jax.jit(kernel)(*tuple(_d.values())))

</pallas_src>

<mosaic_0001>
#map = affine_map<(d0, d1) -> (0)>
#map1 = affine_map<(d0, d1) -> (0, 0, 0)>
module attributes {stable_mosaic.version = 14 : i64} {
  func.func @_body(%arg0: i32, %arg1: i32, %arg2: memref<638976xi32, #tpu.memory_space<hbm>>, %arg3: memref<26x1x1000000xf32, #tpu.memory_space<hbm>>, %arg4: memref<208xf32, #tpu.memory_space<hbm>>, %arg5: memref<16384xf32, #tpu.memory_space<hbm>>, %arg6: memref<19968xi32, #tpu.memory_space<vmem>>, %arg7: memref<13312xf32, #tpu.memory_space<vmem>>, %arg8: memref<512xf32, #tpu.memory_space<vmem>>, %arg9: memref<208xf32, #tpu.memory_space<vmem>>, %arg10: memref<!tpu.dma_semaphore, #tpu.memory_space<semaphore_mem>>, %arg11: memref<!tpu.dma_semaphore, #tpu.memory_space<semaphore_mem>>) attributes {dimension_semantics = [#tpu.dimension_semantics<core_parallel>, #tpu.dimension_semantics<subcore_parallel>], iteration_bounds = array<i64: 2, 16>, scalar_prefetch = 0 : i64, scratch_operands = 6 : i64, tpu.core_type = #tpu.core_type<sc_vector_subcore>, window_params = [{transform_indices = #map}, {transform_indices = #map1}, {transform_indices = #map}, {transform_indices = #map}]} {
    %mul3A = arith.constant 2 : i32
    %mul3A_0 = arith.muli %arg1, %mul3A : i32
    %add3A = arith.addi %mul3A_0, %arg0 : i32
    %mul3A_1 = arith.constant 512 : i32
    %mul3A_2 = arith.muli %add3A, %mul3A_1 : i32
    %multiple_of3A = tpu.assume_multiple %mul3A_2, 512 : i32
    %add3A_3 = arith.constant 0 : i32
    %add3A_4 = arith.addi %add3A_3, %multiple_of3A : i32
    %dma_start3A = arith.constant 0 : i32
    %dma_start3A_5 = tpu.memref_slice %arg6[%dma_start3A] : memref<19968xi32, #tpu.memory_space<vmem>> -> memref<512xi32, #tpu.memory_space<vmem>>
    %dma_start3A_6 = tpu.memref_slice %arg2[%add3A_4] : memref<638976xi32, #tpu.memory_space<hbm>> -> memref<512xi32, #tpu.memory_space<hbm>>
    %dma_start3A_7 = arith.constant 0 : i32
    %dma_start3A_8 = tpu.memref_slice %arg6[%dma_start3A_7] : memref<19968xi32, #tpu.memory_space<vmem>> -> memref<512xi32, #tpu.memory_space<vmem>>
    %dma_start3A_9 = tpu.memref_slice %arg2[%add3A_4] : memref<638976xi32, #tpu.memory_space<hbm>> -> memref<512xi32, #tpu.memory_space<hbm>>
    tpu.enqueue_dma source(%dma_start3A_9 : memref<512xi32, #tpu.memory_space<hbm>>) target(%dma_start3A_8 : memref<512xi32, #tpu.memory_space<vmem>>) target_semaphore(%arg11 : memref<!tpu.dma_semaphore, #tpu.memory_space<semaphore_mem>>)
    %add3A_10 = arith.constant 16384 : i32
    %add3A_11 = arith.addi %add3A_10, %multiple_of3A : i32
    %dma_start3A_12 = arith.constant 512 : i32
    %dma_start3A_13 = tpu.memref_slice %arg6[%dma_start3A_12] : memref<19968xi32, #tpu.memory_space<vmem>> -> memref<512xi32, #tpu.memory_space<vmem>>
    %dma_start3A_14 = tpu.memref_slice %arg2[%add3A_11] : memref<638976xi32, #tpu.memory_space<hbm>> -> memref<512xi32, #tpu.memory_space<hbm>>
    %dma_start3A_15 = arith.constant 512 : i32
    %dma_start3A_16 = tpu.memref_slice %arg6[%dma_start3A_15] : memref<19968xi32, #tpu.memory_space<vmem>> -> memref<512xi32, #tpu.memory_space<vmem>>
    %dma_start3A_17 = tpu.memref_slice %arg2[%add3A_11] : memref<638976xi32, #tpu.memory_space<hbm>> -> memref<512xi32, #tpu.memory_space<hbm>>
    tpu.enqueue_dma source(%dma_start3A_17 : memref<512xi32, #tpu.memory_space<hbm>>) target(%dma_start3A_16 : memref<512xi32, #tpu.memory_space<vmem>>) target_semaphore(%arg11 : memref<!tpu.dma_semaphore, #tpu.memory_space<semaphore_mem>>)
    %add3A_18 = arith.constant 32768 : i32
    %add3A_19 = arith.addi %add3A_18, %multiple_of3A : i32
    %dma_start3A_20 = arith.constant 1024 : i32
    %dma_start3A_21 = tpu.memref_slice %arg6[%dma_start3A_20] : memref<19968xi32, #tpu.memory_space<vmem>> -> memref<512xi32, #tpu.memory_space<vmem>>
    %dma_start3A_22 = tpu.memref_slice %arg2[%add3A_19] : memref<638976xi32, #tpu.memory_space<hbm>> -> memref<512xi32, #tpu.memory_space<hbm>>
    %dma_start3A_23 = arith.constant 1024 : i32
    %dma_start3A_24 = tpu.memref_slice %arg6[%dma_start3A_23] : memref<19968xi32, #tpu.memory_space<vmem>> -> memref<512xi32, #tpu.memory_space<vmem>>
    %dma_start3A_25 = tpu.memref_slice %arg2[%add3A_19] : memref<638976xi32, #tpu.memory_space<hbm>> -> memref<512xi32, #tpu.memory_space<hbm>>
    tpu.enqueue_dma source(%dma_start3A_25 : memref<512xi32, #tpu.memory_space<hbm>>) target(%dma_start3A_24 : memref<512xi32, #tpu.memory_space<vmem>>) target_semaphore(%arg11 : memref<!tpu.dma_semaphore, #tpu.memory_space<semaphore_mem>>)
    %add3A_26 = arith.constant 49152 : i32
    %add3A_27 = arith.addi %add3A_26, %multiple_of3A : i32
    %dma_start3A_28 = arith.constant 1536 : i32
    %dma_start3A_29 = tpu.memref_slice %arg6[%dma_start3A_28] : memref<19968xi32, #tpu.memory_space<vmem>> -> memref<512xi32, #tpu.memory_space<vmem>>
    %dma_start3A_30 = tpu.memref_slice %arg2[%add3A_27] : memref<638976xi32, #tpu.memory_space<hbm>> -> memref<512xi32, #tpu.memory_space<hbm>>
    %dma_start3A_31 = arith.constant 1536 : i32
    %dma_start3A_32 = tpu.memref_slice %arg6[%dma_start3A_31] : memref<19968xi32, #tpu.memory_space<vmem>> -> memref<512xi32, #tpu.memory_space<vmem>>
    %dma_start3A_33 = tpu.memref_slice %arg2[%add3A_27] : memref<638976xi32, #tpu.memory_space<hbm>> -> memref<512xi32, #tpu.memory_space<hbm>>
    tpu.enqueue_dma source(%dma_start3A_33 : memref<512xi32, #tpu.memory_space<hbm>>) target(%dma_start3A_32 : memref<512xi32, #tpu.memory_space<vmem>>) target_semaphore(%arg11 : memref<!tpu.dma_semaphore, #tpu.memory_space<semaphore_mem>>)
    %add3A_34 = arith.constant 65536 : i32
    %add3A_35 = arith.addi %add3A_34, %multiple_of3A : i32
    %dma_start3A_36 = arith.constant 2048 : i32
    %dma_start3A_37 = tpu.memref_slice %arg6[%dma_start3A_36] : memref<19968xi32, #tpu.memory_space<vmem>> -> memref<512xi32, #tpu.memory_space<vmem>>
    %dma_start3A_38 = tpu.memref_slice %arg2[%add3A_35] : memref<638976xi32, #tpu.memory_space<hbm>> -> memref<512xi32, #tpu.memory_space<hbm>>
    %dma_start3A_39 = arith.constant 2048 : i32
    %dma_start3A_40 = tpu.memref_slice %arg6[%dma_start3A_39] : memref<19968xi32, #tpu.memory_space<vmem>> -> memref<512xi32, #tpu.memory_space<vmem>>
    %dma_start3A_41 = tpu.memref_slice %arg2[%add3A_35] : memref<638976xi32, #tpu.memory_space<hbm>> -> memref<512xi32, #tpu.memory_space<hbm>>
    tpu.enqueue_dma source(%dma_start3A_41 : memref<512xi32, #tpu.memory_space<hbm>>) target(%dma_start3A_40 : memref<512xi32, #tpu.memory_space<vmem>>) target_semaphore(%arg11 : memref<!tpu.dma_semaphore, #tpu.memory_space<semaphore_mem>>)
    %add3A_42 = arith.constant 81920 : i32
    %add3A_43 = arith.addi %add3A_42, %multiple_of3A : i32
    %dma_start3A_44 = arith.constant 2560 : i32
    %dma_start3A_45 = tpu.memref_slice %arg6[%dma_start3A_44] : memref<19968xi32, #tpu.memory_space<vmem>> -> memref<512xi32, #tpu.memory_space<vmem>>
    %dma_start3A_46 = tpu.memref_slice %arg2[%add3A_43] : memref<638976xi32, #tpu.memory_space<hbm>> -> memref<512xi32, #tpu.memory_space<hbm>>
    %dma_start3A_47 = arith.constant 2560 : i32
    %dma_start3A_48 = tpu.memref_slice %arg6[%dma_start3A_47] : memref<19968xi32, #tpu.memory_space<vmem>> -> memref<512xi32, #tpu.memory_space<vmem>>
    %dma_start3A_49 = tpu.memref_slice %arg2[%add3A_43] : memref<638976xi32, #tpu.memory_space<hbm>> -> memref<512xi32, #tpu.memory_space<hbm>>
    tpu.enqueue_dma source(%dma_start3A_49 : memref<512xi32, #tpu.memory_space<hbm>>) target(%dma_start3A_48 : memref<512xi32, #tpu.memory_space<vmem>>) target_semaphore(%arg11 : memref<!tpu.dma_semaphore, #tpu.memory_space<semaphore_mem>>)
    %add3A_50 = arith.constant 98304 : i32
    %add3A_51 = arith.addi %add3A_50, %multiple_of3A : i32
    %dma_start3A_52 = arith.constant 3072 : i32
    %dma_start3A_53 = tpu.memref_slice %arg6[%dma_start3A_52] : memref<19968xi32, #tpu.memory_space<vmem>> -> memref<512xi32, #tpu.memory_space<vmem>>
    %dma_start3A_54 = tpu.memref_slice %arg2[%add3A_51] : memref<638976xi32, #tpu.memory_space<hbm>> -> memref<512xi32, #tpu.memory_space<hbm>>
    %dma_start3A_55 = arith.constant 3072 : i32
    %dma_start3A_56 = tpu.memref_slice %arg6[%dma_start3A_55] : memref<19968xi32, #tpu.memory_space<vmem>> -> memref<512xi32, #tpu.memory_space<vmem>>
    %dma_start3A_57 = tpu.memref_slice %arg2[%add3A_51] : memref<638976xi32, #tpu.memory_space<hbm>> -> memref<512xi32, #tpu.memory_space<hbm>>
    tpu.enqueue_dma source(%dma_start3A_57 : memref<512xi32, #tpu.memory_space<hbm>>) target(%dma_start3A_56 : memref<512xi32, #tpu.memory_space<vmem>>) target_semaphore(%arg11 : memref<!tpu.dma_semaphore, #tpu.memory_space<semaphore_mem>>)
    %add3A_58 = arith.constant 114688 : i32
    %add3A_59 = arith.addi %add3A_58, %multiple_of3A : i32
    %dma_start3A_60 = arith.constant 3584 : i32
    %dma_start3A_61 = tpu.memref_slice %arg6[%dma_start3A_60] : memref<19968xi32, #tpu.memory_space<vmem>> -> memref<512xi32, #tpu.memory_space<vmem>>
    %dma_start3A_62 = tpu.memref_slice %arg2[%add3A_59] : memref<638976xi32, #tpu.memory_space<hbm>> -> memref<512xi32, #tpu.memory_space<hbm>>
    %dma_start3A_63 = arith.constant 3584 : i32
    %dma_start3A_64 = tpu.memref_slice %arg6[%dma_start3A_63] : memref<19968xi32, #tpu.memory_space<vmem>> -> memref<512xi32, #tpu.memory_space<vmem>>
    %dma_start3A_65 = tpu.memref_slice %arg2[%add3A_59] : memref<638976xi32, #tpu.memory_space<hbm>> -> memref<512xi32, #tpu.memory_space<hbm>>
    tpu.enqueue_dma source(%dma_start3A_65 : memref<512xi32, #tpu.memory_space<hbm>>) target(%dma_start3A_64 : memref<512xi32, #tpu.memory_space<vmem>>) target_semaphore(%arg11 : memref<!tpu.dma_semaphore, #tpu.memory_space<semaphore_mem>>)
    %add3A_66 = arith.constant 131072 : i32
    %add3A_67 = arith.addi %add3A_66, %multiple_of3A : i32
    %dma_start3A_68 = arith.constant 4096 : i32
    %dma_start3A_69 = tpu.memref_slice %arg6[%dma_start3A_68] : memref<19968xi32, #tpu.memory_space<vmem>> -> memref<512xi32, #tpu.memory_space<vmem>>
    %dma_start3A_70 = tpu.memref_slice %arg2[%add3A_67] : memref<638976xi32, #tpu.memory_space<hbm>> -> memref<512xi32, #tpu.memory_space<hbm>>
    %dma_start3A_71 = arith.constant 4096 : i32
    %dma_start3A_72 = tpu.memref_slice %arg6[%dma_start3A_71] : memref<19968xi32, #tpu.memory_space<vmem>> -> memref<512xi32, #tpu.memory_space<vmem>>
    %dma_start3A_73 = tpu.memref_slice %arg2[%add3A_67] : memref<638976xi32, #tpu.memory_space<hbm>> -> memref<512xi32, #tpu.memory_space<hbm>>
    tpu.enqueue_dma source(%dma_start3A_73 : memref<512xi32, #tpu.memory_space<hbm>>) target(%dma_start3A_72 : memref<512xi32, #tpu.memory_space<vmem>>) target_semaphore(%arg11 : memref<!tpu.dma_semaphore, #tpu.memory_space<semaphore_mem>>)
    %add3A_74 = arith.constant 147456 : i32
    %add3A_75 = arith.addi %add3A_74, %multiple_of3A : i32
    %dma_start3A_76 = arith.constant 4608 : i32
    %dma_start3A_77 = tpu.memref_slice %arg6[%dma_start3A_76] : memref<19968xi32, #tpu.memory_space<vmem>> -> memref<512xi32, #tpu.memory_space<vmem>>
    %dma_start3A_78 = tpu.memref_slice %arg2[%add3A_75] : memref<638976xi32, #tpu.memory_space<hbm>> -> memref<512xi32, #tpu.memory_space<hbm>>
    %dma_start3A_79 = arith.constant 4608 : i32
    %dma_start3A_80 = tpu.memref_slice %arg6[%dma_start3A_79] : memref<19968xi32, #tpu.memory_space<vmem>> -> memref<512xi32, #tpu.memory_space<vmem>>
    %dma_start3A_81 = tpu.memref_slice %arg2[%add3A_75] : memref<638976xi32, #tpu.memory_space<hbm>> -> memref<512xi32, #tpu.memory_space<hbm>>
    tpu.enqueue_dma source(%dma_start3A_81 : memref<512xi32, #tpu.memory_space<hbm>>) target(%dma_start3A_80 : memref<512xi32, #tpu.memory_space<vmem>>) target_semaphore(%arg11 : memref<!tpu.dma_semaphore, #tpu.memory_space<semaphore_mem>>)
    %add3A_82 = arith.constant 163840 : i32
    %add3A_83 = arith.addi %add3A_82, %multiple_of3A : i32
    %dma_start3A_84 = arith.constant 5120 : i32
    %dma_start3A_85 = tpu.memref_slice %arg6[%dma_start3A_84] : memref<19968xi32, #tpu.memory_space<vmem>> -> memref<512xi32, #tpu.memory_space<vmem>>
    %dma_start3A_86 = tpu.memref_slice %arg2[%add3A_83] : memref<638976xi32, #tpu.memory_space<hbm>> -> memref<512xi32, #tpu.memory_space<hbm>>
    %dma_start3A_87 = arith.constant 5120 : i32
    %dma_start3A_88 = tpu.memref_slice %arg6[%dma_start3A_87] : memref<19968xi32, #tpu.memory_space<vmem>> -> memref<512xi32, #tpu.memory_space<vmem>>
    %dma_start3A_89 = tpu.memref_slice %arg2[%add3A_83] : memref<638976xi32, #tpu.memory_space<hbm>> -> memref<512xi32, #tpu.memory_space<hbm>>
    tpu.enqueue_dma source(%dma_start3A_89 : memref<512xi32, #tpu.memory_space<hbm>>) target(%dma_start3A_88 : memref<512xi32, #tpu.memory_space<vmem>>) target_semaphore(%arg11 : memref<!tpu.dma_semaphore, #tpu.memory_space<semaphore_mem>>)
    %add3A_90 = arith.constant 180224 : i32
    %add3A_91 = arith.addi %add3A_90, %multiple_of3A : i32
    %dma_start3A_92 = arith.constant 5632 : i32
    %dma_start3A_93 = tpu.memref_slice %arg6[%dma_start3A_92] : memref<19968xi32, #tpu.memory_space<vmem>> -> memref<512xi32, #tpu.memory_space<vmem>>
    %dma_start3A_94 = tpu.memref_slice %arg2[%add3A_91] : memref<638976xi32, #tpu.memory_space<hbm>> -> memref<512xi32, #tpu.memory_space<hbm>>
    %dma_start3A_95 = arith.constant 5632 : i32
    %dma_start3A_96 = tpu.memref_slice %arg6[%dma_start3A_95] : memref<19968xi32, #tpu.memory_space<vmem>> -> memref<512xi32, #tpu.memory_space<vmem>>
    %dma_start3A_97 = tpu.memref_slice %arg2[%add3A_91] : memref<638976xi32, #tpu.memory_space<hbm>> -> memref<512xi32, #tpu.memory_space<hbm>>
    tpu.enqueue_dma source(%dma_start3A_97 : memref<512xi32, #tpu.memory_space<hbm>>) target(%dma_start3A_96 : memref<512xi32, #tpu.memory_space<vmem>>) target_semaphore(%arg11 : memref<!tpu.dma_semaphore, #tpu.memory_space<semaphore_mem>>)
    %add3A_98 = arith.constant 196608 : i32
    %add3A_99 = arith.addi %add3A_98, %multiple_of3A : i32
    %dma_start3A_100 = arith.constant 6144 : i32
    %dma_start3A_101 = tpu.memref_slice %arg6[%dma_start3A_100] : memref<19968xi32, #tpu.memory_space<vmem>> -> memref<512xi32, #tpu.memory_space<vmem>>
    %dma_start3A_102 = tpu.memref_slice %arg2[%add3A_99] : memref<638976xi32, #tpu.memory_space<hbm>> -> memref<512xi32, #tpu.memory_space<hbm>>
    %dma_start3A_103 = arith.constant 6144 : i32
    %dma_start3A_104 = tpu.memref_slice %arg6[%dma_start3A_103] : memref<19968xi32, #tpu.memory_space<vmem>> -> memref<512xi32, #tpu.memory_space<vmem>>
    %dma_start3A_105 = tpu.memref_slice %arg2[%add3A_99] : memref<638976xi32, #tpu.memory_space<hbm>> -> memref<512xi32, #tpu.memory_space<hbm>>
    tpu.enqueue_dma source(%dma_start3A_105 : memref<512xi32, #tpu.memory_space<hbm>>) target(%dma_start3A_104 : memref<512xi32, #tpu.memory_space<vmem>>) target_semaphore(%arg11 : memref<!tpu.dma_semaphore, #tpu.memory_space<semaphore_mem>>)
    %add3A_106 = arith.constant 212992 : i32
    %add3A_107 = arith.addi %add3A_106, %multiple_of3A : i32
    %dma_start3A_108 = arith.constant 6656 : i32
    %dma_start3A_109 = tpu.memref_slice %arg6[%dma_start3A_108] : memref<19968xi32, #tpu.memory_space<vmem>> -> memref<512xi32, #tpu.memory_space<vmem>>
    %dma_start3A_110 = tpu.memref_slice %arg2[%add3A_107] : memref<638976xi32, #tpu.memory_space<hbm>> -> memref<512xi32, #tpu.memory_space<hbm>>
    %dma_start3A_111 = arith.constant 6656 : i32
    %dma_start3A_112 = tpu.memref_slice %arg6[%dma_start3A_111] : memref<19968xi32, #tpu.memory_space<vmem>> -> memref<512xi32, #tpu.memory_space<vmem>>
    %dma_start3A_113 = tpu.memref_slice %arg2[%add3A_107] : memref<638976xi32, #tpu.memory_space<hbm>> -> memref<512xi32, #tpu.memory_space<hbm>>
    tpu.enqueue_dma source(%dma_start3A_113 : memref<512xi32, #tpu.memory_space<hbm>>) target(%dma_start3A_112 : memref<512xi32, #tpu.memory_space<vmem>>) target_semaphore(%arg11 : memref<!tpu.dma_semaphore, #tpu.memory_space<semaphore_mem>>)
    %add3A_114 = arith.constant 229376 : i32
    %add3A_115 = arith.addi %add3A_114, %multiple_of3A : i32
    %dma_start3A_116 = arith.constant 7168 : i32
    %dma_start3A_117 = tpu.memref_slice %arg6[%dma_start3A_116] : memref<19968xi32, #tpu.memory_space<vmem>> -> memref<512xi32, #tpu.memory_space<vmem>>
    %dma_start3A_118 = tpu.memref_slice %arg2[%add3A_115] : memref<638976xi32, #tpu.memory_space<hbm>> -> memref<512xi32, #tpu.memory_space<hbm>>
    %dma_start3A_119 = arith.constant 7168 : i32
    %dma_start3A_120 = tpu.memref_slice %arg6[%dma_start3A_119] : memref<19968xi32, #tpu.memory_space<vmem>> -> memref<512xi32, #tpu.memory_space<vmem>>
    %dma_start3A_121 = tpu.memref_slice %arg2[%add3A_115] : memref<638976xi32, #tpu.memory_space<hbm>> -> memref<512xi32, #tpu.memory_space<hbm>>
    tpu.enqueue_dma source(%dma_start3A_121 : memref<512xi32, #tpu.memory_space<hbm>>) target(%dma_start3A_120 : memref<512xi32, #tpu.memory_space<vmem>>) target_semaphore(%arg11 : memref<!tpu.dma_semaphore, #tpu.memory_space<semaphore_mem>>)
    %add3A_122 = arith.constant 245760 : i32
    %add3A_123 = arith.addi %add3A_122, %multiple_of3A : i32
    %dma_start3A_124 = arith.constant 7680 : i32
    %dma_start3A_125 = tpu.memref_slice %arg6[%dma_start3A_124] : memref<19968xi32, #tpu.memory_space<vmem>> -> memref<512xi32, #tpu.memory_space<vmem>>
    %dma_start3A_126 = tpu.memref_slice %arg2[%add3A_123] : memref<638976xi32, #tpu.memory_space<hbm>> -> memref<512xi32, #tpu.memory_space<hbm>>
    %dma_start3A_127 = arith.constant 7680 : i32
    %dma_start3A_128 = tpu.memref_slice %arg6[%dma_start3A_127] : memref<19968xi32, #tpu.memory_space<vmem>> -> memref<512xi32, #tpu.memory_space<vmem>>
    %dma_start3A_129 = tpu.memref_slice %arg2[%add3A_123] : memref<638976xi32, #tpu.memory_space<hbm>> -> memref<512xi32, #tpu.memory_space<hbm>>
    tpu.enqueue_dma source(%dma_start3A_129 : memref<512xi32, #tpu.memory_space<hbm>>) target(%dma_start3A_128 : memref<512xi32, #tpu.memory_space<vmem>>) target_semaphore(%arg11 : memref<!tpu.dma_semaphore, #tpu.memory_space<semaphore_mem>>)
    %add3A_130 = arith.constant 262144 : i32
    %add3A_131 = arith.addi %add3A_130, %multiple_of3A : i32
    %dma_start3A_132 = arith.constant 8192 : i32
    %dma_start3A_133 = tpu.memref_slice %arg6[%dma_start3A_132] : memref<19968xi32, #tpu.memory_space<vmem>> -> memref<512xi32, #tpu.memory_space<vmem>>
    %dma_start3A_134 = tpu.memref_slice %arg2[%add3A_131] : memref<638976xi32, #tpu.memory_space<hbm>> -> memref<512xi32, #tpu.memory_space<hbm>>
    %dma_start3A_135 = arith.constant 8192 : i32
    %dma_start3A_136 = tpu.memref_slice %arg6[%dma_start3A_135] : memref<19968xi32, #tpu.memory_space<vmem>> -> memref<512xi32, #tpu.memory_space<vmem>>
    %dma_start3A_137 = tpu.memref_slice %arg2[%add3A_131] : memref<638976xi32, #tpu.memory_space<hbm>> -> memref<512xi32, #tpu.memory_space<hbm>>
    tpu.enqueue_dma source(%dma_start3A_137 : memref<512xi32, #tpu.memory_space<hbm>>) target(%dma_start3A_136 : memref<512xi32, #tpu.memory_space<vmem>>) target_semaphore(%arg11 : memref<!tpu.dma_semaphore, #tpu.memory_space<semaphore_mem>>)
    %add3A_138 = arith.constant 278528 : i32
    %add3A_139 = arith.addi %add3A_138, %multiple_of3A : i32
    %dma_start3A_140 = arith.constant 8704 : i32
    %dma_start3A_141 = tpu.memref_slice %arg6[%dma_start3A_140] : memref<19968xi32, #tpu.memory_space<vmem>> -> memref<512xi32, #tpu.memory_space<vmem>>
    %dma_start3A_142 = tpu.memref_slice %arg2[%add3A_139] : memref<638976xi32, #tpu.memory_space<hbm>> -> memref<512xi32, #tpu.memory_space<hbm>>
    %dma_start3A_143 = arith.constant 8704 : i32
    %dma_start3A_144 = tpu.memref_slice %arg6[%dma_start3A_143] : memref<19968xi32, #tpu.memory_space<vmem>> -> memref<512xi32, #tpu.memory_space<vmem>>
    %dma_start3A_145 = tpu.memref_slice %arg2[%add3A_139] : memref<638976xi32, #tpu.memory_space<hbm>> -> memref<512xi32, #tpu.memory_space<hbm>>
    tpu.enqueue_dma source(%dma_start3A_145 : memref<512xi32, #tpu.memory_space<hbm>>) target(%dma_start3A_144 : memref<512xi32, #tpu.memory_space<vmem>>) target_semaphore(%arg11 : memref<!tpu.dma_semaphore, #tpu.memory_space<semaphore_mem>>)
    %add3A_146 = arith.constant 294912 : i32
    %add3A_147 = arith.addi %add3A_146, %multiple_of3A : i32
    %dma_start3A_148 = arith.constant 9216 : i32
    %dma_start3A_149 = tpu.memref_slice %arg6[%dma_start3A_148] : memref<19968xi32, #tpu.memory_space<vmem>> -> memref<512xi32, #tpu.memory_space<vmem>>
    %dma_start3A_150 = tpu.memref_slice %arg2[%add3A_147] : memref<638976xi32, #tpu.memory_space<hbm>> -> memref<512xi32, #tpu.memory_space<hbm>>
    %dma_start3A_151 = arith.constant 9216 : i32
    %dma_start3A_152 = tpu.memref_slice %arg6[%dma_start3A_151] : memref<19968xi32, #tpu.memory_space<vmem>> -> memref<512xi32, #tpu.memory_space<vmem>>
    %dma_start3A_153 = tpu.memref_slice %arg2[%add3A_147] : memref<638976xi32, #tpu.memory_space<hbm>> -> memref<512xi32, #tpu.memory_space<hbm>>
    tpu.enqueue_dma source(%dma_start3A_153 : memref<512xi32, #tpu.memory_space<hbm>>) target(%dma_start3A_152 : memref<512xi32, #tpu.memory_space<vmem>>) target_semaphore(%arg11 : memref<!tpu.dma_semaphore, #tpu.memory_space<semaphore_mem>>)
    %add3A_154 = arith.constant 311296 : i32
    %add3A_155 = arith.addi %add3A_154, %multiple_of3A : i32
    %dma_start3A_156 = arith.constant 9728 : i32
    %dma_start3A_157 = tpu.memref_slice %arg6[%dma_start3A_156] : memref<19968xi32, #tpu.memory_space<vmem>> -> memref<512xi32, #tpu.memory_space<vmem>>
    %dma_start3A_158 = tpu.memref_slice %arg2[%add3A_155] : memref<638976xi32, #tpu.memory_space<hbm>> -> memref<512xi32, #tpu.memory_space<hbm>>
    %dma_start3A_159 = arith.constant 9728 : i32
    %dma_start3A_160 = tpu.memref_slice %arg6[%dma_start3A_159] : memref<19968xi32, #tpu.memory_space<vmem>> -> memref<512xi32, #tpu.memory_space<vmem>>
    %dma_start3A_161 = tpu.memref_slice %arg2[%add3A_155] : memref<638976xi32, #tpu.memory_space<hbm>> -> memref<512xi32, #tpu.memory_space<hbm>>
    tpu.enqueue_dma source(%dma_start3A_161 : memref<512xi32, #tpu.memory_space<hbm>>) target(%dma_start3A_160 : memref<512xi32, #tpu.memory_space<vmem>>) target_semaphore(%arg11 : memref<!tpu.dma_semaphore, #tpu.memory_space<semaphore_mem>>)
    %add3A_162 = arith.constant 327680 : i32
    %add3A_163 = arith.addi %add3A_162, %multiple_of3A : i32
    %dma_start3A_164 = arith.constant 10240 : i32
    %dma_start3A_165 = tpu.memref_slice %arg6[%dma_start3A_164] : memref<19968xi32, #tpu.memory_space<vmem>> -> memref<512xi32, #tpu.memory_space<vmem>>
    %dma_start3A_166 = tpu.memref_slice %arg2[%add3A_163] : memref<638976xi32, #tpu.memory_space<hbm>> -> memref<512xi32, #tpu.memory_space<hbm>>
    %dma_start3A_167 = arith.constant 10240 : i32
    %dma_start3A_168 = tpu.memref_slice %arg6[%dma_start3A_167] : memref<19968xi32, #tpu.memory_space<vmem>> -> memref<512xi32, #tpu.memory_space<vmem>>
    %dma_start3A_169 = tpu.memref_slice %arg2[%add3A_163] : memref<638976xi32, #tpu.memory_space<hbm>> -> memref<512xi32, #tpu.memory_space<hbm>>
    tpu.enqueue_dma source(%dma_start3A_169 : memref<512xi32, #tpu.memory_space<hbm>>) target(%dma_start3A_168 : memref<512xi32, #tpu.memory_space<vmem>>) target_semaphore(%arg11 : memref<!tpu.dma_semaphore, #tpu.memory_space<semaphore_mem>>)
    %add3A_170 = arith.constant 344064 : i32
    %add3A_171 = arith.addi %add3A_170, %multiple_of3A : i32
    %dma_start3A_172 = arith.constant 10752 : i32
    %dma_start3A_173 = tpu.memref_slice %arg6[%dma_start3A_172] : memref<19968xi32, #tpu.memory_space<vmem>> -> memref<512xi32, #tpu.memory_space<vmem>>
    %dma_start3A_174 = tpu.memref_slice %arg2[%add3A_171] : memref<638976xi32, #tpu.memory_space<hbm>> -> memref<512xi32, #tpu.memory_space<hbm>>
    %dma_start3A_175 = arith.constant 10752 : i32
    %dma_start3A_176 = tpu.memref_slice %arg6[%dma_start3A_175] : memref<19968xi32, #tpu.memory_space<vmem>> -> memref<512xi32, #tpu.memory_space<vmem>>
    %dma_start3A_177 = tpu.memref_slice %arg2[%add3A_171] : memref<638976xi32, #tpu.memory_space<hbm>> -> memref<512xi32, #tpu.memory_space<hbm>>
    tpu.enqueue_dma source(%dma_start3A_177 : memref<512xi32, #tpu.memory_space<hbm>>) target(%dma_start3A_176 : memref<512xi32, #tpu.memory_space<vmem>>) target_semaphore(%arg11 : memref<!tpu.dma_semaphore, #tpu.memory_space<semaphore_mem>>)
    %add3A_178 = arith.constant 360448 : i32
    %add3A_179 = arith.addi %add3A_178, %multiple_of3A : i32
    %dma_start3A_180 = arith.constant 11264 : i32
    %dma_start3A_181 = tpu.memref_slice %arg6[%dma_start3A_180] : memref<19968xi32, #tpu.memory_space<vmem>> -> memref<512xi32, #tpu.memory_space<vmem>>
    %dma_start3A_182 = tpu.memref_slice %arg2[%add3A_179] : memref<638976xi32, #tpu.memory_space<hbm>> -> memref<512xi32, #tpu.memory_space<hbm>>
    %dma_start3A_183 = arith.constant 11264 : i32
    %dma_start3A_184 = tpu.memref_slice %arg6[%dma_start3A_183] : memref<19968xi32, #tpu.memory_space<vmem>> -> memref<512xi32, #tpu.memory_space<vmem>>
    %dma_start3A_185 = tpu.memref_slice %arg2[%add3A_179] : memref<638976xi32, #tpu.memory_space<hbm>> -> memref<512xi32, #tpu.memory_space<hbm>>
    tpu.enqueue_dma source(%dma_start3A_185 : memref<512xi32, #tpu.memory_space<hbm>>) target(%dma_start3A_184 : memref<512xi32, #tpu.memory_space<vmem>>) target_semaphore(%arg11 : memref<!tpu.dma_semaphore, #tpu.memory_space<semaphore_mem>>)
    %add3A_186 = arith.constant 376832 : i32
    %add3A_187 = arith.addi %add3A_186, %multiple_of3A : i32
    %dma_start3A_188 = arith.constant 11776 : i32
    %dma_start3A_189 = tpu.memref_slice %arg6[%dma_start3A_188] : memref<19968xi32, #tpu.memory_space<vmem>> -> memref<512xi32, #tpu.memory_space<vmem>>
    %dma_start3A_190 = tpu.memref_slice %arg2[%add3A_187] : memref<638976xi32, #tpu.memory_space<hbm>> -> memref<512xi32, #tpu.memory_space<hbm>>
    %dma_start3A_191 = arith.constant 11776 : i32
    %dma_start3A_192 = tpu.memref_slice %arg6[%dma_start3A_191] : memref<19968xi32, #tpu.memory_space<vmem>> -> memref<512xi32, #tpu.memory_space<vmem>>
    %dma_start3A_193 = tpu.memref_slice %arg2[%add3A_187] : memref<638976xi32, #tpu.memory_space<hbm>> -> memref<512xi32, #tpu.memory_space<hbm>>
    tpu.enqueue_dma source(%dma_start3A_193 : memref<512xi32, #tpu.memory_space<hbm>>) target(%dma_start3A_192 : memref<512xi32, #tpu.memory_space<vmem>>) target_semaphore(%arg11 : memref<!tpu.dma_semaphore, #tpu.memory_space<semaphore_mem>>)
    %add3A_194 = arith.constant 393216 : i32
    %add3A_195 = arith.addi %add3A_194, %multiple_of3A : i32
    %dma_start3A_196 = arith.constant 12288 : i32
    %dma_start3A_197 = tpu.memref_slice %arg6[%dma_start3A_196] : memref<19968xi32, #tpu.memory_space<vmem>> -> memref<512xi32, #tpu.memory_space<vmem>>
    %dma_start3A_198 = tpu.memref_slice %arg2[%add3A_195] : memref<638976xi32, #tpu.memory_space<hbm>> -> memref<512xi32, #tpu.memory_space<hbm>>
    %dma_start3A_199 = arith.constant 12288 : i32
    %dma_start3A_200 = tpu.memref_slice %arg6[%dma_start3A_199] : memref<19968xi32, #tpu.memory_space<vmem>> -> memref<512xi32, #tpu.memory_space<vmem>>
    %dma_start3A_201 = tpu.memref_slice %arg2[%add3A_195] : memref<638976xi32, #tpu.memory_space<hbm>> -> memref<512xi32, #tpu.memory_space<hbm>>
    tpu.enqueue_dma source(%dma_start3A_201 : memref<512xi32, #tpu.memory_space<hbm>>) target(%dma_start3A_200 : memref<512xi32, #tpu.memory_space<vmem>>) target_semaphore(%arg11 : memref<!tpu.dma_semaphore, #tpu.memory_space<semaphore_mem>>)
    %add3A_202 = arith.constant 409600 : i32
    %add3A_203 = arith.addi %add3A_202, %multiple_of3A : i32
    %dma_start3A_204 = arith.constant 12800 : i32
    %dma_start3A_205 = tpu.memref_slice %arg6[%dma_start3A_204] : memref<19968xi32, #tpu.memory_space<vmem>> -> memref<512xi32, #tpu.memory_space<vmem>>
    %dma_start3A_206 = tpu.memref_slice %arg2[%add3A_203] : memref<638976xi32, #tpu.memory_space<hbm>> -> memref<512xi32, #tpu.memory_space<hbm>>
    %dma_start3A_207 = arith.constant 12800 : i32
    %dma_start3A_208 = tpu.memref_slice %arg6[%dma_start3A_207] : memref<19968xi32, #tpu.memory_space<vmem>> -> memref<512xi32, #tpu.memory_space<vmem>>
    %dma_start3A_209 = tpu.memref_slice %arg2[%add3A_203] : memref<638976xi32, #tpu.memory_space<hbm>> -> memref<512xi32, #tpu.memory_space<hbm>>
    tpu.enqueue_dma source(%dma_start3A_209 : memref<512xi32, #tpu.memory_space<hbm>>) target(%dma_start3A_208 : memref<512xi32, #tpu.memory_space<vmem>>) target_semaphore(%arg11 : memref<!tpu.dma_semaphore, #tpu.memory_space<semaphore_mem>>)
    %add3A_210 = arith.constant 425984 : i32
    %add3A_211 = arith.addi %add3A_210, %multiple_of3A : i32
    %dma_start3A_212 = arith.constant 13312 : i32
    %dma_start3A_213 = tpu.memref_slice %arg6[%dma_start3A_212] : memref<19968xi32, #tpu.memory_space<vmem>> -> memref<512xi32, #tpu.memory_space<vmem>>
    %dma_start3A_214 = tpu.memref_slice %arg2[%add3A_211] : memref<638976xi32, #tpu.memory_space<hbm>> -> memref<512xi32, #tpu.memory_space<hbm>>
    %dma_start3A_215 = arith.constant 13312 : i32
    %dma_start3A_216 = tpu.memref_slice %arg6[%dma_start3A_215] : memref<19968xi32, #tpu.memory_space<vmem>> -> memref<512xi32, #tpu.memory_space<vmem>>
    %dma_start3A_217 = tpu.memref_slice %arg2[%add3A_211] : memref<638976xi32, #tpu.memory_space<hbm>> -> memref<512xi32, #tpu.memory_space<hbm>>
    tpu.enqueue_dma source(%dma_start3A_217 : memref<512xi32, #tpu.memory_space<hbm>>) target(%dma_start3A_216 : memref<512xi32, #tpu.memory_space<vmem>>) target_semaphore(%arg11 : memref<!tpu.dma_semaphore, #tpu.memory_space<semaphore_mem>>)
    %add3A_218 = arith.constant 442368 : i32
    %add3A_219 = arith.addi %add3A_218, %multiple_of3A : i32
    %dma_start3A_220 = arith.constant 13824 : i32
    %dma_start3A_221 = tpu.memref_slice %arg6[%dma_start3A_220] : memref<19968xi32, #tpu.memory_space<vmem>> -> memref<512xi32, #tpu.memory_space<vmem>>
    %dma_start3A_222 = tpu.memref_slice %arg2[%add3A_219] : memref<638976xi32, #tpu.memory_space<hbm>> -> memref<512xi32, #tpu.memory_space<hbm>>
    %dma_start3A_223 = arith.constant 13824 : i32
    %dma_start3A_224 = tpu.memref_slice %arg6[%dma_start3A_223] : memref<19968xi32, #tpu.memory_space<vmem>> -> memref<512xi32, #tpu.memory_space<vmem>>
    %dma_start3A_225 = tpu.memref_slice %arg2[%add3A_219] : memref<638976xi32, #tpu.memory_space<hbm>> -> memref<512xi32, #tpu.memory_space<hbm>>
    tpu.enqueue_dma source(%dma_start3A_225 : memref<512xi32, #tpu.memory_space<hbm>>) target(%dma_start3A_224 : memref<512xi32, #tpu.memory_space<vmem>>) target_semaphore(%arg11 : memref<!tpu.dma_semaphore, #tpu.memory_space<semaphore_mem>>)
    %add3A_226 = arith.constant 458752 : i32
    %add3A_227 = arith.addi %add3A_226, %multiple_of3A : i32
    %dma_start3A_228 = arith.constant 14336 : i32
    %dma_start3A_229 = tpu.memref_slice %arg6[%dma_start3A_228] : memref<19968xi32, #tpu.memory_space<vmem>> -> memref<512xi32, #tpu.memory_space<vmem>>
    %dma_start3A_230 = tpu.memref_slice %arg2[%add3A_227] : memref<638976xi32, #tpu.memory_space<hbm>> -> memref<512xi32, #tpu.memory_space<hbm>>
    %dma_start3A_231 = arith.constant 14336 : i32
    %dma_start3A_232 = tpu.memref_slice %arg6[%dma_start3A_231] : memref<19968xi32, #tpu.memory_space<vmem>> -> memref<512xi32, #tpu.memory_space<vmem>>
    %dma_start3A_233 = tpu.memref_slice %arg2[%add3A_227] : memref<638976xi32, #tpu.memory_space<hbm>> -> memref<512xi32, #tpu.memory_space<hbm>>
    tpu.enqueue_dma source(%dma_start3A_233 : memref<512xi32, #tpu.memory_space<hbm>>) target(%dma_start3A_232 : memref<512xi32, #tpu.memory_space<vmem>>) target_semaphore(%arg11 : memref<!tpu.dma_semaphore, #tpu.memory_space<semaphore_mem>>)
    %add3A_234 = arith.constant 475136 : i32
    %add3A_235 = arith.addi %add3A_234, %multiple_of3A : i32
    %dma_start3A_236 = arith.constant 14848 : i32
    %dma_start3A_237 = tpu.memref_slice %arg6[%dma_start3A_236] : memref<19968xi32, #tpu.memory_space<vmem>> -> memref<512xi32, #tpu.memory_space<vmem>>
    %dma_start3A_238 = tpu.memref_slice %arg2[%add3A_235] : memref<638976xi32, #tpu.memory_space<hbm>> -> memref<512xi32, #tpu.memory_space<hbm>>
    %dma_start3A_239 = arith.constant 14848 : i32
    %dma_start3A_240 = tpu.memref_slice %arg6[%dma_start3A_239] : memref<19968xi32, #tpu.memory_space<vmem>> -> memref<512xi32, #tpu.memory_space<vmem>>
    %dma_start3A_241 = tpu.memref_slice %arg2[%add3A_235] : memref<638976xi32, #tpu.memory_space<hbm>> -> memref<512xi32, #tpu.memory_space<hbm>>
    tpu.enqueue_dma source(%dma_start3A_241 : memref<512xi32, #tpu.memory_space<hbm>>) target(%dma_start3A_240 : memref<512xi32, #tpu.memory_space<vmem>>) target_semaphore(%arg11 : memref<!tpu.dma_semaphore, #tpu.memory_space<semaphore_mem>>)
    %add3A_242 = arith.constant 491520 : i32
    %add3A_243 = arith.addi %add3A_242, %multiple_of3A : i32
    %dma_start3A_244 = arith.constant 15360 : i32
    %dma_start3A_245 = tpu.memref_slice %arg6[%dma_start3A_244] : memref<19968xi32, #tpu.memory_space<vmem>> -> memref<512xi32, #tpu.memory_space<vmem>>
    %dma_start3A_246 = tpu.memref_slice %arg2[%add3A_243] : memref<638976xi32, #tpu.memory_space<hbm>> -> memref<512xi32, #tpu.memory_space<hbm>>
    %dma_start3A_247 = arith.constant 15360 : i32
    %dma_start3A_248 = tpu.memref_slice %arg6[%dma_start3A_247] : memref<19968xi32, #tpu.memory_space<vmem>> -> memref<512xi32, #tpu.memory_space<vmem>>
    %dma_start3A_249 = tpu.memref_slice %arg2[%add3A_243] : memref<638976xi32, #tpu.memory_space<hbm>> -> memref<512xi32, #tpu.memory_space<hbm>>
    tpu.enqueue_dma source(%dma_start3A_249 : memref<512xi32, #tpu.memory_space<hbm>>) target(%dma_start3A_248 : memref<512xi32, #tpu.memory_space<vmem>>) target_semaphore(%arg11 : memref<!tpu.dma_semaphore, #tpu.memory_space<semaphore_mem>>)
    %add3A_250 = arith.constant 507904 : i32
    %add3A_251 = arith.addi %add3A_250, %multiple_of3A : i32
    %dma_start3A_252 = arith.constant 15872 : i32
    %dma_start3A_253 = tpu.memref_slice %arg6[%dma_start3A_252] : memref<19968xi32, #tpu.memory_space<vmem>> -> memref<512xi32, #tpu.memory_space<vmem>>
    %dma_start3A_254 = tpu.memref_slice %arg2[%add3A_251] : memref<638976xi32, #tpu.memory_space<hbm>> -> memref<512xi32, #tpu.memory_space<hbm>>
    %dma_start3A_255 = arith.constant 15872 : i32
    %dma_start3A_256 = tpu.memref_slice %arg6[%dma_start3A_255] : memref<19968xi32, #tpu.memory_space<vmem>> -> memref<512xi32, #tpu.memory_space<vmem>>
    %dma_start3A_257 = tpu.memref_slice %arg2[%add3A_251] : memref<638976xi32, #tpu.memory_space<hbm>> -> memref<512xi32, #tpu.memory_space<hbm>>
    tpu.enqueue_dma source(%dma_start3A_257 : memref<512xi32, #tpu.memory_space<hbm>>) target(%dma_start3A_256 : memref<512xi32, #tpu.memory_space<vmem>>) target_semaphore(%arg11 : memref<!tpu.dma_semaphore, #tpu.memory_space<semaphore_mem>>)
    %add3A_258 = arith.constant 524288 : i32
    %add3A_259 = arith.addi %add3A_258, %multiple_of3A : i32
    %dma_start3A_260 = arith.constant 16384 : i32
    %dma_start3A_261 = tpu.memref_slice %arg6[%dma_start3A_260] : memref<19968xi32, #tpu.memory_space<vmem>> -> memref<512xi32, #tpu.memory_space<vmem>>
    %dma_start3A_262 = tpu.memref_slice %arg2[%add3A_259] : memref<638976xi32, #tpu.memory_space<hbm>> -> memref<512xi32, #tpu.memory_space<hbm>>
    %dma_start3A_263 = arith.constant 16384 : i32
    %dma_start3A_264 = tpu.memref_slice %arg6[%dma_start3A_263] : memref<19968xi32, #tpu.memory_space<vmem>> -> memref<512xi32, #tpu.memory_space<vmem>>
    %dma_start3A_265 = tpu.memref_slice %arg2[%add3A_259] : memref<638976xi32, #tpu.memory_space<hbm>> -> memref<512xi32, #tpu.memory_space<hbm>>
    tpu.enqueue_dma source(%dma_start3A_265 : memref<512xi32, #tpu.memory_space<hbm>>) target(%dma_start3A_264 : memref<512xi32, #tpu.memory_space<vmem>>) target_semaphore(%arg11 : memref<!tpu.dma_semaphore, #tpu.memory_space<semaphore_mem>>)
    %add3A_266 = arith.constant 540672 : i32
    %add3A_267 = arith.addi %add3A_266, %multiple_of3A : i32
    %dma_start3A_268 = arith.constant 16896 : i32
    %dma_start3A_269 = tpu.memref_slice %arg6[%dma_start3A_268] : memref<19968xi32, #tpu.memory_space<vmem>> -> memref<512xi32, #tpu.memory_space<vmem>>
    %dma_start3A_270 = tpu.memref_slice %arg2[%add3A_267] : memref<638976xi32, #tpu.memory_space<hbm>> -> memref<512xi32, #tpu.memory_space<hbm>>
    %dma_start3A_271 = arith.constant 16896 : i32
    %dma_start3A_272 = tpu.memref_slice %arg6[%dma_start3A_271] : memref<19968xi32, #tpu.memory_space<vmem>> -> memref<512xi32, #tpu.memory_space<vmem>>
    %dma_start3A_273 = tpu.memref_slice %arg2[%add3A_267] : memref<638976xi32, #tpu.memory_space<hbm>> -> memref<512xi32, #tpu.memory_space<hbm>>
    tpu.enqueue_dma source(%dma_start3A_273 : memref<512xi32, #tpu.memory_space<hbm>>) target(%dma_start3A_272 : memref<512xi32, #tpu.memory_space<vmem>>) target_semaphore(%arg11 : memref<!tpu.dma_semaphore, #tpu.memory_space<semaphore_mem>>)
    %add3A_274 = arith.constant 557056 : i32
    %add3A_275 = arith.addi %add3A_274, %multiple_of3A : i32
    %dma_start3A_276 = arith.constant 17408 : i32
    %dma_start3A_277 = tpu.memref_slice %arg6[%dma_start3A_276] : memref<19968xi32, #tpu.memory_space<vmem>> -> memref<512xi32, #tpu.memory_space<vmem>>
    %dma_start3A_278 = tpu.memref_slice %arg2[%add3A_275] : memref<638976xi32, #tpu.memory_space<hbm>> -> memref<512xi32, #tpu.memory_space<hbm>>
    %dma_start3A_279 = arith.constant 17408 : i32
    %dma_start3A_280 = tpu.memref_slice %arg6[%dma_start3A_279] : memref<19968xi32, #tpu.memory_space<vmem>> -> memref<512xi32, #tpu.memory_space<vmem>>
    %dma_start3A_281 = tpu.memref_slice %arg2[%add3A_275] : memref<638976xi32, #tpu.memory_space<hbm>> -> memref<512xi32, #tpu.memory_space<hbm>>
    tpu.enqueue_dma source(%dma_start3A_281 : memref<512xi32, #tpu.memory_space<hbm>>) target(%dma_start3A_280 : memref<512xi32, #tpu.memory_space<vmem>>) target_semaphore(%arg11 : memref<!tpu.dma_semaphore, #tpu.memory_space<semaphore_mem>>)
    %add3A_282 = arith.constant 573440 : i32
    %add3A_283 = arith.addi %add3A_282, %multiple_of3A : i32
    %dma_start3A_284 = arith.constant 17920 : i32
    %dma_start3A_285 = tpu.memref_slice %arg6[%dma_start3A_284] : memref<19968xi32, #tpu.memory_space<vmem>> -> memref<512xi32, #tpu.memory_space<vmem>>
    %dma_start3A_286 = tpu.memref_slice %arg2[%add3A_283] : memref<638976xi32, #tpu.memory_space<hbm>> -> memref<512xi32, #tpu.memory_space<hbm>>
    %dma_start3A_287 = arith.constant 17920 : i32
    %dma_start3A_288 = tpu.memref_slice %arg6[%dma_start3A_287] : memref<19968xi32, #tpu.memory_space<vmem>> -> memref<512xi32, #tpu.memory_space<vmem>>
    %dma_start3A_289 = tpu.memref_slice %arg2[%add3A_283] : memref<638976xi32, #tpu.memory_space<hbm>> -> memref<512xi32, #tpu.memory_space<hbm>>
    tpu.enqueue_dma source(%dma_start3A_289 : memref<512xi32, #tpu.memory_space<hbm>>) target(%dma_start3A_288 : memref<512xi32, #tpu.memory_space<vmem>>) target_semaphore(%arg11 : memref<!tpu.dma_semaphore, #tpu.memory_space<semaphore_mem>>)
    %add3A_290 = arith.constant 589824 : i32
    %add3A_291 = arith.addi %add3A_290, %multiple_of3A : i32
    %dma_start3A_292 = arith.constant 18432 : i32
    %dma_start3A_293 = tpu.memref_slice %arg6[%dma_start3A_292] : memref<19968xi32, #tpu.memory_space<vmem>> -> memref<512xi32, #tpu.memory_space<vmem>>
    %dma_start3A_294 = tpu.memref_slice %arg2[%add3A_291] : memref<638976xi32, #tpu.memory_space<hbm>> -> memref<512xi32, #tpu.memory_space<hbm>>
    %dma_start3A_295 = arith.constant 18432 : i32
    %dma_start3A_296 = tpu.memref_slice %arg6[%dma_start3A_295] : memref<19968xi32, #tpu.memory_space<vmem>> -> memref<512xi32, #tpu.memory_space<vmem>>
    %dma_start3A_297 = tpu.memref_slice %arg2[%add3A_291] : memref<638976xi32, #tpu.memory_space<hbm>> -> memref<512xi32, #tpu.memory_space<hbm>>
    tpu.enqueue_dma source(%dma_start3A_297 : memref<512xi32, #tpu.memory_space<hbm>>) target(%dma_start3A_296 : memref<512xi32, #tpu.memory_space<vmem>>) target_semaphore(%arg11 : memref<!tpu.dma_semaphore, #tpu.memory_space<semaphore_mem>>)
    %add3A_298 = arith.constant 606208 : i32
    %add3A_299 = arith.addi %add3A_298, %multiple_of3A : i32
    %dma_start3A_300 = arith.constant 18944 : i32
    %dma_start3A_301 = tpu.memref_slice %arg6[%dma_start3A_300] : memref<19968xi32, #tpu.memory_space<vmem>> -> memref<512xi32, #tpu.memory_space<vmem>>
    %dma_start3A_302 = tpu.memref_slice %arg2[%add3A_299] : memref<638976xi32, #tpu.memory_space<hbm>> -> memref<512xi32, #tpu.memory_space<hbm>>
    %dma_start3A_303 = arith.constant 18944 : i32
    %dma_start3A_304 = tpu.memref_slice %arg6[%dma_start3A_303] : memref<19968xi32, #tpu.memory_space<vmem>> -> memref<512xi32, #tpu.memory_space<vmem>>
    %dma_start3A_305 = tpu.memref_slice %arg2[%add3A_299] : memref<638976xi32, #tpu.memory_space<hbm>> -> memref<512xi32, #tpu.memory_space<hbm>>
    tpu.enqueue_dma source(%dma_start3A_305 : memref<512xi32, #tpu.memory_space<hbm>>) target(%dma_start3A_304 : memref<512xi32, #tpu.memory_space<vmem>>) target_semaphore(%arg11 : memref<!tpu.dma_semaphore, #tpu.memory_space<semaphore_mem>>)
    %add3A_306 = arith.constant 622592 : i32
    %add3A_307 = arith.addi %add3A_306, %multiple_of3A : i32
    %dma_start3A_308 = arith.constant 19456 : i32
    %dma_start3A_309 = tpu.memref_slice %arg6[%dma_start3A_308] : memref<19968xi32, #tpu.memory_space<vmem>> -> memref<512xi32, #tpu.memory_space<vmem>>
    %dma_start3A_310 = tpu.memref_slice %arg2[%add3A_307] : memref<638976xi32, #tpu.memory_space<hbm>> -> memref<512xi32, #tpu.memory_space<hbm>>
    %dma_start3A_311 = arith.constant 19456 : i32
    %dma_start3A_312 = tpu.memref_slice %arg6[%dma_start3A_311] : memref<19968xi32, #tpu.memory_space<vmem>> -> memref<512xi32, #tpu.memory_space<vmem>>
    %dma_start3A_313 = tpu.memref_slice %arg2[%add3A_307] : memref<638976xi32, #tpu.memory_space<hbm>> -> memref<512xi32, #tpu.memory_space<hbm>>
    tpu.enqueue_dma source(%dma_start3A_313 : memref<512xi32, #tpu.memory_space<hbm>>) target(%dma_start3A_312 : memref<512xi32, #tpu.memory_space<vmem>>) target_semaphore(%arg11 : memref<!tpu.dma_semaphore, #tpu.memory_space<semaphore_mem>>)
    "tpu.region"() ({
      %run_scoped3A = tpu.sem_alloc : memref<!tpu.dma_semaphore, #tpu.memory_space<semaphore_mem>>
      tpu.enqueue_dma source(%arg4 : memref<208xf32, #tpu.memory_space<hbm>>) target(%arg9 : memref<208xf32, #tpu.memory_space<vmem>>) target_semaphore(%run_scoped3A : memref<!tpu.dma_semaphore, #tpu.memory_space<semaphore_mem>>)
      tpu.wait_dma2 semaphore(%run_scoped3A : memref<!tpu.dma_semaphore, #tpu.memory_space<semaphore_mem>>) src(%arg4 : memref<208xf32, #tpu.memory_space<hbm>>) dst(%arg9 : memref<208xf32, #tpu.memory_space<vmem>>)
      tpu.yield
    }) : () -> ()
    %dma_wait3A = arith.constant 0 : i32
    %dma_wait3A_314 = tpu.memref_slice %arg2[%dma_wait3A] : memref<638976xi32, #tpu.memory_space<hbm>> -> memref<19968xi32, #tpu.memory_space<hbm>>
    %dma_wait3A_315 = arith.constant 0 : i32
    %dma_wait3A_316 = tpu.memref_slice %arg2[%dma_wait3A_315] : memref<638976xi32, #tpu.memory_space<hbm>> -> memref<19968xi32, #tpu.memory_space<hbm>>
    tpu.wait_dma2 semaphore(%arg11 : memref<!tpu.dma_semaphore, #tpu.memory_space<semaphore_mem>>) src(%dma_wait3A_316 : memref<19968xi32, #tpu.memory_space<hbm>>) dst(%arg6 : memref<19968xi32, #tpu.memory_space<vmem>>)
    %scan3A = arith.constant 0 : i32
    %scan3A_317 = arith.constant 0 : i32
    %scan3A_318 = arith.constant 26 : i32
    %scan3A_319 = arith.addi %scan3A_317, %scan3A_318 : i32
    %scan3A_320 = arith.constant 1 : i32
    scf.for %scan3A_340 = %scan3A_317 to %scan3A_319 step %scan3A_320  : i32 {
      %mul3A_341 = arith.constant 512 : i32
      %mul3A_342 = arith.muli %scan3A_340, %mul3A_341 : i32
      %multiple_of3A_343 = tpu.assume_multiple %mul3A_342, 512 : i32
      %add3A_344 = arith.constant 0 : i32
      %add3A_345 = arith.addi %multiple_of3A_343, %add3A_344 : i32
      %dma_start3A_346 = arith.constant 0 : i32
      %dma_start3A_347 = tpu.memref_slice %arg7[%add3A_345] : memref<13312xf32, #tpu.memory_space<vmem>> -> memref<128xf32, #tpu.memory_space<vmem>>
      %dma_start3A_348 = tpu.memref_slice %arg6[%add3A_345] : memref<19968xi32, #tpu.memory_space<vmem>> -> memref<128xi32, #tpu.memory_space<vmem>>
      %dma_start3A_349 = arith.constant 0 : i32
      %dma_start3A_350 = tpu.memref_slice %arg3[%scan3A_340, %dma_start3A_346, %dma_start3A_349] : memref<26x1x1000000xf32, #tpu.memory_space<hbm>> -> memref<1x1x1000000xf32, #tpu.memory_space<hbm>>
      %dma_start3A_351 = tpu.memref_squeeze %dma_start3A_350 : memref<1x1x1000000xf32, #tpu.memory_space<hbm>> -> memref<1000000xf32, #tpu.memory_space<hbm>>
      %dma_start3A_352 = arith.constant 0 : i32
      %dma_start3A_353 = tpu.memref_slice %dma_start3A_351[%dma_start3A_352] : memref<1000000xf32, #tpu.memory_space<hbm>> -> memref<1000000xf32, #tpu.memory_space<hbm>>
      tpu.enqueue_indirect_dma source(%dma_start3A_353 : memref<1000000xf32, #tpu.memory_space<hbm>>) target(%dma_start3A_347 : memref<128xf32, #tpu.memory_space<vmem>>) offsets(%dma_start3A_348 : memref<128xi32, #tpu.memory_space<vmem>>) semaphore(%arg10 : memref<!tpu.dma_semaphore, #tpu.memory_space<semaphore_mem>>)
      %add3A_354 = arith.constant 128 : i32
      %add3A_355 = arith.addi %multiple_of3A_343, %add3A_354 : i32
      %dma_start3A_356 = arith.constant 0 : i32
      %dma_start3A_357 = tpu.memref_slice %arg7[%add3A_355] : memref<13312xf32, #tpu.memory_space<vmem>> -> memref<128xf32, #tpu.memory_space<vmem>>
      %dma_start3A_358 = tpu.memref_slice %arg6[%add3A_355] : memref<19968xi32, #tpu.memory_space<vmem>> -> memref<128xi32, #tpu.memory_space<vmem>>
      %dma_start3A_359 = arith.constant 0 : i32
      %dma_start3A_360 = tpu.memref_slice %arg3[%scan3A_340, %dma_start3A_356, %dma_start3A_359] : memref<26x1x1000000xf32, #tpu.memory_space<hbm>> -> memref<1x1x1000000xf32, #tpu.memory_space<hbm>>
      %dma_start3A_361 = tpu.memref_squeeze %dma_start3A_360 : memref<1x1x1000000xf32, #tpu.memory_space<hbm>> -> memref<1000000xf32, #tpu.memory_space<hbm>>
      %dma_start3A_362 = arith.constant 0 : i32
      %dma_start3A_363 = tpu.memref_slice %dma_start3A_361[%dma_start3A_362] : memref<1000000xf32, #tpu.memory_space<hbm>> -> memref<1000000xf32, #tpu.memory_space<hbm>>
      tpu.enqueue_indirect_dma source(%dma_start3A_363 : memref<1000000xf32, #tpu.memory_space<hbm>>) target(%dma_start3A_357 : memref<128xf32, #tpu.memory_space<vmem>>) offsets(%dma_start3A_358 : memref<128xi32, #tpu.memory_space<vmem>>) semaphore(%arg10 : memref<!tpu.dma_semaphore, #tpu.memory_space<semaphore_mem>>)
      %add3A_364 = arith.constant 256 : i32
      %add3A_365 = arith.addi %multiple_of3A_343, %add3A_364 : i32
      %dma_start3A_366 = arith.constant 0 : i32
      %dma_start3A_367 = tpu.memref_slice %arg7[%add3A_365] : memref<13312xf32, #tpu.memory_space<vmem>> -> memref<128xf32, #tpu.memory_space<vmem>>
      %dma_start3A_368 = tpu.memref_slice %arg6[%add3A_365] : memref<19968xi32, #tpu.memory_space<vmem>> -> memref<128xi32, #tpu.memory_space<vmem>>
      %dma_start3A_369 = arith.constant 0 : i32
      %dma_start3A_370 = tpu.memref_slice %arg3[%scan3A_340, %dma_start3A_366, %dma_start3A_369] : memref<26x1x1000000xf32, #tpu.memory_space<hbm>> -> memref<1x1x1000000xf32, #tpu.memory_space<hbm>>
      %dma_start3A_371 = tpu.memref_squeeze %dma_start3A_370 : memref<1x1x1000000xf32, #tpu.memory_space<hbm>> -> memref<1000000xf32, #tpu.memory_space<hbm>>
      %dma_start3A_372 = arith.constant 0 : i32
      %dma_start3A_373 = tpu.memref_slice %dma_start3A_371[%dma_start3A_372] : memref<1000000xf32, #tpu.memory_space<hbm>> -> memref<1000000xf32, #tpu.memory_space<hbm>>
      tpu.enqueue_indirect_dma source(%dma_start3A_373 : memref<1000000xf32, #tpu.memory_space<hbm>>) target(%dma_start3A_367 : memref<128xf32, #tpu.memory_space<vmem>>) offsets(%dma_start3A_368 : memref<128xi32, #tpu.memory_space<vmem>>) semaphore(%arg10 : memref<!tpu.dma_semaphore, #tpu.memory_space<semaphore_mem>>)
      %add3A_374 = arith.constant 384 : i32
      %add3A_375 = arith.addi %multiple_of3A_343, %add3A_374 : i32
      %dma_start3A_376 = arith.constant 0 : i32
      %dma_start3A_377 = tpu.memref_slice %arg7[%add3A_375] : memref<13312xf32, #tpu.memory_space<vmem>> -> memref<128xf32, #tpu.memory_space<vmem>>
      %dma_start3A_378 = tpu.memref_slice %arg6[%add3A_375] : memref<19968xi32, #tpu.memory_space<vmem>> -> memref<128xi32, #tpu.memory_space<vmem>>
      %dma_start3A_379 = arith.constant 0 : i32
      %dma_start3A_380 = tpu.memref_slice %arg3[%scan3A_340, %dma_start3A_376, %dma_start3A_379] : memref<26x1x1000000xf32, #tpu.memory_space<hbm>> -> memref<1x1x1000000xf32, #tpu.memory_space<hbm>>
      %dma_start3A_381 = tpu.memref_squeeze %dma_start3A_380 : memref<1x1x1000000xf32, #tpu.memory_space<hbm>> -> memref<1000000xf32, #tpu.memory_space<hbm>>
      %dma_start3A_382 = arith.constant 0 : i32
      %dma_start3A_383 = tpu.memref_slice %dma_start3A_381[%dma_start3A_382] : memref<1000000xf32, #tpu.memory_space<hbm>> -> memref<1000000xf32, #tpu.memory_space<hbm>>
      tpu.enqueue_indirect_dma source(%dma_start3A_383 : memref<1000000xf32, #tpu.memory_space<hbm>>) target(%dma_start3A_377 : memref<128xf32, #tpu.memory_space<vmem>>) offsets(%dma_start3A_378 : memref<128xi32, #tpu.memory_space<vmem>>) semaphore(%arg10 : memref<!tpu.dma_semaphore, #tpu.memory_space<semaphore_mem>>)
    }
    %scan3A_321 = arith.constant 26 : i32
    %dma_wait3A_322 = arith.constant 0 : i32
    %dma_wait3A_323 = arith.constant 0 : i32
    %dma_wait3A_324 = arith.constant 0 : i32
    %dma_wait3A_325 = tpu.memref_slice %arg3[%dma_wait3A_322, %dma_wait3A_323, %dma_wait3A_324] : memref<26x1x1000000xf32, #tpu.memory_space<hbm>> -> memref<1x1x1000000xf32, #tpu.memory_space<hbm>>
    %dma_wait3A_326 = tpu.memref_squeeze %dma_wait3A_325 : memref<1x1x1000000xf32, #tpu.memory_space<hbm>> -> memref<1000000xf32, #tpu.memory_space<hbm>>
    %dma_wait3A_327 = arith.constant 0 : i32
    %dma_wait3A_328 = tpu.memref_slice %dma_wait3A_326[%dma_wait3A_327] : memref<1000000xf32, #tpu.memory_space<hbm>> -> memref<13312xf32, #tpu.memory_space<hbm>>
    %dma_wait3A_329 = arith.constant 0 : i32
    %dma_wait3A_330 = tpu.memref_slice %arg3[%dma_wait3A_322, %dma_wait3A_323, %dma_wait3A_329] : memref<26x1x1000000xf32, #tpu.memory_space<hbm>> -> memref<1x1x1000000xf32, #tpu.memory_space<hbm>>
    %dma_wait3A_331 = tpu.memref_squeeze %dma_wait3A_330 : memref<1x1x1000000xf32, #tpu.memory_space<hbm>> -> memref<1000000xf32, #tpu.memory_space<hbm>>
    %dma_wait3A_332 = arith.constant 0 : i32
    %dma_wait3A_333 = tpu.memref_slice %dma_wait3A_331[%dma_wait3A_332] : memref<1000000xf32, #tpu.memory_space<hbm>> -> memref<13312xf32, #tpu.memory_space<hbm>>
    tpu.wait_dma2 semaphore(%arg10 : memref<!tpu.dma_semaphore, #tpu.memory_space<semaphore_mem>>) src(%dma_wait3A_333 : memref<13312xf32, #tpu.memory_space<hbm>>) dst(%arg7 : memref<13312xf32, #tpu.memory_space<vmem>>)
    %scan3A_334 = arith.constant 0 : i32
    %scan3A_335 = arith.constant 0 : i32
    %scan3A_336 = arith.constant 32 : i32
    %scan3A_337 = arith.addi %scan3A_335, %scan3A_336 : i32
    %scan3A_338 = arith.constant 1 : i32
    scf.for %scan3A_340 = %scan3A_335 to %scan3A_337 step %scan3A_338  : i32 {
      %mul3A_341 = arith.constant 16 : i32
      %mul3A_342 = arith.muli %scan3A_340, %mul3A_341 : i32
      %multiple_of3A_343 = tpu.assume_multiple %mul3A_342, 16 : i32
      %get3A = arith.index_cast %multiple_of3A_343 : i32 to index
      %get3A_344 = tpu.vector_load %arg7[%get3A] {strides = array<i32>} : memref<13312xf32, #tpu.memory_space<vmem>>, vector<16xf32>,
      %add3A_345 = arith.constant 512 : i32
      %add3A_346 = arith.addi %add3A_345, %multiple_of3A_343 : i32
      %get3A_347 = arith.index_cast %add3A_346 : i32 to index
      %get3A_348 = tpu.vector_load %arg7[%get3A_347] {strides = array<i32>} : memref<13312xf32, #tpu.memory_space<vmem>>, vector<16xf32>,
      %add3A_349 = arith.addf %get3A_344, %get3A_348 : vector<16xf32>
      %add3A_350 = arith.constant 1024 : i32
      %add3A_351 = arith.addi %add3A_350, %multiple_of3A_343 : i32
      %get3A_352 = arith.index_cast %add3A_351 : i32 to index
      %get3A_353 = tpu.vector_load %arg7[%get3A_352] {strides = array<i32>} : memref<13312xf32, #tpu.memory_space<vmem>>, vector<16xf32>,
      %add3A_354 = arith.addf %add3A_349, %get3A_353 : vector<16xf32>
      %add3A_355 = arith.constant 1536 : i32
      %add3A_356 = arith.addi %add3A_355, %multiple_of3A_343 : i32
      %get3A_357 = arith.index_cast %add3A_356 : i32 to index
      %get3A_358 = tpu.vector_load %arg7[%get3A_357] {strides = array<i32>} : memref<13312xf32, #tpu.memory_space<vmem>>, vector<16xf32>,
      %add3A_359 = arith.addf %add3A_354, %get3A_358 : vector<16xf32>
      %add3A_360 = arith.constant 2048 : i32
      %add3A_361 = arith.addi %add3A_360, %multiple_of3A_343 : i32
      %get3A_362 = arith.index_cast %add3A_361 : i32 to index
      %get3A_363 = tpu.vector_load %arg7[%get3A_362] {strides = array<i32>} : memref<13312xf32, #tpu.memory_space<vmem>>, vector<16xf32>,
      %add3A_364 = arith.addf %add3A_359, %get3A_363 : vector<16xf32>
      %add3A_365 = arith.constant 2560 : i32
      %add3A_366 = arith.addi %add3A_365, %multiple_of3A_343 : i32
      %get3A_367 = arith.index_cast %add3A_366 : i32 to index
      %get3A_368 = tpu.vector_load %arg7[%get3A_367] {strides = array<i32>} : memref<13312xf32, #tpu.memory_space<vmem>>, vector<16xf32>,
      %add3A_369 = arith.addf %add3A_364, %get3A_368 : vector<16xf32>
      %add3A_370 = arith.constant 3072 : i32
      %add3A_371 = arith.addi %add3A_370, %multiple_of3A_343 : i32
      %get3A_372 = arith.index_cast %add3A_371 : i32 to index
      %get3A_373 = tpu.vector_load %arg7[%get3A_372] {strides = array<i32>} : memref<13312xf32, #tpu.memory_space<vmem>>, vector<16xf32>,
      %add3A_374 = arith.addf %add3A_369, %get3A_373 : vector<16xf32>
      %add3A_375 = arith.constant 3584 : i32
      %add3A_376 = arith.addi %add3A_375, %multiple_of3A_343 : i32
      %get3A_377 = arith.index_cast %add3A_376 : i32 to index
      %get3A_378 = tpu.vector_load %arg7[%get3A_377] {strides = array<i32>} : memref<13312xf32, #tpu.memory_space<vmem>>, vector<16xf32>,
      %add3A_379 = arith.addf %add3A_374, %get3A_378 : vector<16xf32>
      %add3A_380 = arith.constant 4096 : i32
      %add3A_381 = arith.addi %add3A_380, %multiple_of3A_343 : i32
      %get3A_382 = arith.index_cast %add3A_381 : i32 to index
      %get3A_383 = tpu.vector_load %arg7[%get3A_382] {strides = array<i32>} : memref<13312xf32, #tpu.memory_space<vmem>>, vector<16xf32>,
      %add3A_384 = arith.addf %add3A_379, %get3A_383 : vector<16xf32>
      %add3A_385 = arith.constant 4608 : i32
      %add3A_386 = arith.addi %add3A_385, %multiple_of3A_343 : i32
      %get3A_387 = arith.index_cast %add3A_386 : i32 to index
      %get3A_388 = tpu.vector_load %arg7[%get3A_387] {strides = array<i32>} : memref<13312xf32, #tpu.memory_space<vmem>>, vector<16xf32>,
      %add3A_389 = arith.addf %add3A_384, %get3A_388 : vector<16xf32>
      %add3A_390 = arith.constant 5120 : i32
      %add3A_391 = arith.addi %add3A_390, %multiple_of3A_343 : i32
      %get3A_392 = arith.index_cast %add3A_391 : i32 to index
      %get3A_393 = tpu.vector_load %arg7[%get3A_392] {strides = array<i32>} : memref<13312xf32, #tpu.memory_space<vmem>>, vector<16xf32>,
      %add3A_394 = arith.addf %add3A_389, %get3A_393 : vector<16xf32>
      %add3A_395 = arith.constant 5632 : i32
      %add3A_396 = arith.addi %add3A_395, %multiple_of3A_343 : i32
      %get3A_397 = arith.index_cast %add3A_396 : i32 to index
      %get3A_398 = tpu.vector_load %arg7[%get3A_397] {strides = array<i32>} : memref<13312xf32, #tpu.memory_space<vmem>>, vector<16xf32>,
      %add3A_399 = arith.addf %add3A_394, %get3A_398 : vector<16xf32>
      %add3A_400 = arith.constant 6144 : i32
      %add3A_401 = arith.addi %add3A_400, %multiple_of3A_343 : i32
      %get3A_402 = arith.index_cast %add3A_401 : i32 to index
      %get3A_403 = tpu.vector_load %arg7[%get3A_402] {strides = array<i32>} : memref<13312xf32, #tpu.memory_space<vmem>>, vector<16xf32>,
      %add3A_404 = arith.addf %add3A_399, %get3A_403 : vector<16xf32>
      %add3A_405 = arith.constant 6656 : i32
      %add3A_406 = arith.addi %add3A_405, %multiple_of3A_343 : i32
      %get3A_407 = arith.index_cast %add3A_406 : i32 to index
      %get3A_408 = tpu.vector_load %arg7[%get3A_407] {strides = array<i32>} : memref<13312xf32, #tpu.memory_space<vmem>>, vector<16xf32>,
      %add3A_409 = arith.addf %add3A_404, %get3A_408 : vector<16xf32>
      %add3A_410 = arith.constant 7168 : i32
      %add3A_411 = arith.addi %add3A_410, %multiple_of3A_343 : i32
      %get3A_412 = arith.index_cast %add3A_411 : i32 to index
      %get3A_413 = tpu.vector_load %arg7[%get3A_412] {strides = array<i32>} : memref<13312xf32, #tpu.memory_space<vmem>>, vector<16xf32>,
      %add3A_414 = arith.addf %add3A_409, %get3A_413 : vector<16xf32>
      %add3A_415 = arith.constant 7680 : i32
      %add3A_416 = arith.addi %add3A_415, %multiple_of3A_343 : i32
      %get3A_417 = arith.index_cast %add3A_416 : i32 to index
      %get3A_418 = tpu.vector_load %arg7[%get3A_417] {strides = array<i32>} : memref<13312xf32, #tpu.memory_space<vmem>>, vector<16xf32>,
      %add3A_419 = arith.addf %add3A_414, %get3A_418 : vector<16xf32>
      %add3A_420 = arith.constant 8192 : i32
      %add3A_421 = arith.addi %add3A_420, %multiple_of3A_343 : i32
      %get3A_422 = arith.index_cast %add3A_421 : i32 to index
      %get3A_423 = tpu.vector_load %arg7[%get3A_422] {strides = array<i32>} : memref<13312xf32, #tpu.memory_space<vmem>>, vector<16xf32>,
      %add3A_424 = arith.addf %add3A_419, %get3A_423 : vector<16xf32>
      %add3A_425 = arith.constant 8704 : i32
      %add3A_426 = arith.addi %add3A_425, %multiple_of3A_343 : i32
      %get3A_427 = arith.index_cast %add3A_426 : i32 to index
      %get3A_428 = tpu.vector_load %arg7[%get3A_427] {strides = array<i32>} : memref<13312xf32, #tpu.memory_space<vmem>>, vector<16xf32>,
      %add3A_429 = arith.addf %add3A_424, %get3A_428 : vector<16xf32>
      %add3A_430 = arith.constant 9216 : i32
      %add3A_431 = arith.addi %add3A_430, %multiple_of3A_343 : i32
      %get3A_432 = arith.index_cast %add3A_431 : i32 to index
      %get3A_433 = tpu.vector_load %arg7[%get3A_432] {strides = array<i32>} : memref<13312xf32, #tpu.memory_space<vmem>>, vector<16xf32>,
      %add3A_434 = arith.addf %add3A_429, %get3A_433 : vector<16xf32>
      %add3A_435 = arith.constant 9728 : i32
      %add3A_436 = arith.addi %add3A_435, %multiple_of3A_343 : i32
      %get3A_437 = arith.index_cast %add3A_436 : i32 to index
      %get3A_438 = tpu.vector_load %arg7[%get3A_437] {strides = array<i32>} : memref<13312xf32, #tpu.memory_space<vmem>>, vector<16xf32>,
      %add3A_439 = arith.addf %add3A_434, %get3A_438 : vector<16xf32>
      %add3A_440 = arith.constant 10240 : i32
      %add3A_441 = arith.addi %add3A_440, %multiple_of3A_343 : i32
      %get3A_442 = arith.index_cast %add3A_441 : i32 to index
      %get3A_443 = tpu.vector_load %arg7[%get3A_442] {strides = array<i32>} : memref<13312xf32, #tpu.memory_space<vmem>>, vector<16xf32>,
      %add3A_444 = arith.addf %add3A_439, %get3A_443 : vector<16xf32>
      %add3A_445 = arith.constant 10752 : i32
      %add3A_446 = arith.addi %add3A_445, %multiple_of3A_343 : i32
      %get3A_447 = arith.index_cast %add3A_446 : i32 to index
      %get3A_448 = tpu.vector_load %arg7[%get3A_447] {strides = array<i32>} : memref<13312xf32, #tpu.memory_space<vmem>>, vector<16xf32>,
      %add3A_449 = arith.addf %add3A_444, %get3A_448 : vector<16xf32>
      %add3A_450 = arith.constant 11264 : i32
      %add3A_451 = arith.addi %add3A_450, %multiple_of3A_343 : i32
      %get3A_452 = arith.index_cast %add3A_451 : i32 to index
      %get3A_453 = tpu.vector_load %arg7[%get3A_452] {strides = array<i32>} : memref<13312xf32, #tpu.memory_space<vmem>>, vector<16xf32>,
      %add3A_454 = arith.addf %add3A_449, %get3A_453 : vector<16xf32>
      %add3A_455 = arith.constant 11776 : i32
      %add3A_456 = arith.addi %add3A_455, %multiple_of3A_343 : i32
      %get3A_457 = arith.index_cast %add3A_456 : i32 to index
      %get3A_458 = tpu.vector_load %arg7[%get3A_457] {strides = array<i32>} : memref<13312xf32, #tpu.memory_space<vmem>>, vector<16xf32>,
      %add3A_459 = arith.addf %add3A_454, %get3A_458 : vector<16xf32>
      %add3A_460 = arith.constant 12288 : i32
      %add3A_461 = arith.addi %add3A_460, %multiple_of3A_343 : i32
      %get3A_462 = arith.index_cast %add3A_461 : i32 to index
      %get3A_463 = tpu.vector_load %arg7[%get3A_462] {strides = array<i32>} : memref<13312xf32, #tpu.memory_space<vmem>>, vector<16xf32>,
      %add3A_464 = arith.addf %add3A_459, %get3A_463 : vector<16xf32>
      %add3A_465 = arith.constant 12800 : i32
      %add3A_466 = arith.addi %add3A_465, %multiple_of3A_343 : i32
      %get3A_467 = arith.index_cast %add3A_466 : i32 to index
      %get3A_468 = tpu.vector_load %arg7[%get3A_467] {strides = array<i32>} : memref<13312xf32, #tpu.memory_space<vmem>>, vector<16xf32>,
      %add3A_469 = arith.addf %add3A_464, %get3A_468 : vector<16xf32>
      %add3A_470 = arith.constant 13312 : i32
      %add3A_471 = arith.addi %add3A_470, %multiple_of3A_343 : i32
      %get3A_472 = arith.index_cast %add3A_471 : i32 to index
      %get3A_473 = tpu.vector_load %arg6[%get3A_472] {strides = array<i32>} : memref<19968xi32, #tpu.memory_space<vmem>>, vector<16xi32>,
      %convert_element_type3A = arith.sitofp %get3A_473 : vector<16xi32> to vector<16xf32>
      %get3A_474 = arith.constant 0 : index
      %get3A_475 = tpu.vector_load %arg9[%get3A_474] {strides = array<i32>} : memref<208xf32, #tpu.memory_space<vmem>>, vector<16xf32>,
      %mul3A_476 = arith.mulf %convert_element_type3A, %get3A_475 : vector<16xf32>
      %add3A_477 = arith.addf %add3A_469, %mul3A_476 : vector<16xf32>
      %add3A_478 = arith.constant 13824 : i32
      %add3A_479 = arith.addi %add3A_478, %multiple_of3A_343 : i32
      %get3A_480 = arith.index_cast %add3A_479 : i32 to index
      %get3A_481 = tpu.vector_load %arg6[%get3A_480] {strides = array<i32>} : memref<19968xi32, #tpu.memory_space<vmem>>, vector<16xi32>,
      %convert_element_type3A_482 = arith.sitofp %get3A_481 : vector<16xi32> to vector<16xf32>
      %get3A_483 = arith.constant 16 : index
      %get3A_484 = tpu.vector_load %arg9[%get3A_483] {strides = array<i32>} : memref<208xf32, #tpu.memory_space<vmem>>, vector<16xf32>,
      %mul3A_485 = arith.mulf %convert_element_type3A_482, %get3A_484 : vector<16xf32>
      %add3A_486 = arith.addf %add3A_477, %mul3A_485 : vector<16xf32>
      %add3A_487 = arith.constant 14336 : i32
      %add3A_488 = arith.addi %add3A_487, %multiple_of3A_343 : i32
      %get3A_489 = arith.index_cast %add3A_488 : i32 to index
      %get3A_490 = tpu.vector_load %arg6[%get3A_489] {strides = array<i32>} : memref<19968xi32, #tpu.memory_space<vmem>>, vector<16xi32>,
      %convert_element_type3A_491 = arith.sitofp %get3A_490 : vector<16xi32> to vector<16xf32>
      %get3A_492 = arith.constant 32 : index
      %get3A_493 = tpu.vector_load %arg9[%get3A_492] {strides = array<i32>} : memref<208xf32, #tpu.memory_space<vmem>>, vector<16xf32>,
      %mul3A_494 = arith.mulf %convert_element_type3A_491, %get3A_493 : vector<16xf32>
      %add3A_495 = arith.addf %add3A_486, %mul3A_494 : vector<16xf32>
      %add3A_496 = arith.constant 14848 : i32
      %add3A_497 = arith.addi %add3A_496, %multiple_of3A_343 : i32
      %get3A_498 = arith.index_cast %add3A_497 : i32 to index
      %get3A_499 = tpu.vector_load %arg6[%get3A_498] {strides = array<i32>} : memref<19968xi32, #tpu.memory_space<vmem>>, vector<16xi32>,
      %convert_element_type3A_500 = arith.sitofp %get3A_499 : vector<16xi32> to vector<16xf32>
      %get3A_501 = arith.constant 48 : index
      %get3A_502 = tpu.vector_load %arg9[%get3A_501] {strides = array<i32>} : memref<208xf32, #tpu.memory_space<vmem>>, vector<16xf32>,
      %mul3A_503 = arith.mulf %convert_element_type3A_500, %get3A_502 : vector<16xf32>
      %add3A_504 = arith.addf %add3A_495, %mul3A_503 : vector<16xf32>
      %add3A_505 = arith.constant 15360 : i32
      %add3A_506 = arith.addi %add3A_505, %multiple_of3A_343 : i32
      %get3A_507 = arith.index_cast %add3A_506 : i32 to index
      %get3A_508 = tpu.vector_load %arg6[%get3A_507] {strides = array<i32>} : memref<19968xi32, #tpu.memory_space<vmem>>, vector<16xi32>,
      %convert_element_type3A_509 = arith.sitofp %get3A_508 : vector<16xi32> to vector<16xf32>
      %get3A_510 = arith.constant 64 : index
      %get3A_511 = tpu.vector_load %arg9[%get3A_510] {strides = array<i32>} : memref<208xf32, #tpu.memory_space<vmem>>, vector<16xf32>,
      %mul3A_512 = arith.mulf %convert_element_type3A_509, %get3A_511 : vector<16xf32>
      %add3A_513 = arith.addf %add3A_504, %mul3A_512 : vector<16xf32>
      %add3A_514 = arith.constant 15872 : i32
      %add3A_515 = arith.addi %add3A_514, %multiple_of3A_343 : i32
      %get3A_516 = arith.index_cast %add3A_515 : i32 to index
      %get3A_517 = tpu.vector_load %arg6[%get3A_516] {strides = array<i32>} : memref<19968xi32, #tpu.memory_space<vmem>>, vector<16xi32>,
      %convert_element_type3A_518 = arith.sitofp %get3A_517 : vector<16xi32> to vector<16xf32>
      %get3A_519 = arith.constant 80 : index
      %get3A_520 = tpu.vector_load %arg9[%get3A_519] {strides = array<i32>} : memref<208xf32, #tpu.memory_space<vmem>>, vector<16xf32>,
      %mul3A_521 = arith.mulf %convert_element_type3A_518, %get3A_520 : vector<16xf32>
      %add3A_522 = arith.addf %add3A_513, %mul3A_521 : vector<16xf32>
      %add3A_523 = arith.constant 16384 : i32
      %add3A_524 = arith.addi %add3A_523, %multiple_of3A_343 : i32
      %get3A_525 = arith.index_cast %add3A_524 : i32 to index
      %get3A_526 = tpu.vector_load %arg6[%get3A_525] {strides = array<i32>} : memref<19968xi32, #tpu.memory_space<vmem>>, vector<16xi32>,
      %convert_element_type3A_527 = arith.sitofp %get3A_526 : vector<16xi32> to vector<16xf32>
      %get3A_528 = arith.constant 96 : index
      %get3A_529 = tpu.vector_load %arg9[%get3A_528] {strides = array<i32>} : memref<208xf32, #tpu.memory_space<vmem>>, vector<16xf32>,
      %mul3A_530 = arith.mulf %convert_element_type3A_527, %get3A_529 : vector<16xf32>
      %add3A_531 = arith.addf %add3A_522, %mul3A_530 : vector<16xf32>
      %add3A_532 = arith.constant 16896 : i32
      %add3A_533 = arith.addi %add3A_532, %multiple_of3A_343 : i32
      %get3A_534 = arith.index_cast %add3A_533 : i32 to index
      %get3A_535 = tpu.vector_load %arg6[%get3A_534] {strides = array<i32>} : memref<19968xi32, #tpu.memory_space<vmem>>, vector<16xi32>,
      %convert_element_type3A_536 = arith.sitofp %get3A_535 : vector<16xi32> to vector<16xf32>
      %get3A_537 = arith.constant 112 : index
      %get3A_538 = tpu.vector_load %arg9[%get3A_537] {strides = array<i32>} : memref<208xf32, #tpu.memory_space<vmem>>, vector<16xf32>,
      %mul3A_539 = arith.mulf %convert_element_type3A_536, %get3A_538 : vector<16xf32>
      %add3A_540 = arith.addf %add3A_531, %mul3A_539 : vector<16xf32>
      %add3A_541 = arith.constant 17408 : i32
      %add3A_542 = arith.addi %add3A_541, %multiple_of3A_343 : i32
      %get3A_543 = arith.index_cast %add3A_542 : i32 to index
      %get3A_544 = tpu.vector_load %arg6[%get3A_543] {strides = array<i32>} : memref<19968xi32, #tpu.memory_space<vmem>>, vector<16xi32>,
      %convert_element_type3A_545 = arith.sitofp %get3A_544 : vector<16xi32> to vector<16xf32>
      %get3A_546 = arith.constant 128 : index
      %get3A_547 = tpu.vector_load %arg9[%get3A_546] {strides = array<i32>} : memref<208xf32, #tpu.memory_space<vmem>>, vector<16xf32>,
      %mul3A_548 = arith.mulf %convert_element_type3A_545, %get3A_547 : vector<16xf32>
      %add3A_549 = arith.addf %add3A_540, %mul3A_548 : vector<16xf32>
      %add3A_550 = arith.constant 17920 : i32
      %add3A_551 = arith.addi %add3A_550, %multiple_of3A_343 : i32
      %get3A_552 = arith.index_cast %add3A_551 : i32 to index
      %get3A_553 = tpu.vector_load %arg6[%get3A_552] {strides = array<i32>} : memref<19968xi32, #tpu.memory_space<vmem>>, vector<16xi32>,
      %convert_element_type3A_554 = arith.sitofp %get3A_553 : vector<16xi32> to vector<16xf32>
      %get3A_555 = arith.constant 144 : index
      %get3A_556 = tpu.vector_load %arg9[%get3A_555] {strides = array<i32>} : memref<208xf32, #tpu.memory_space<vmem>>, vector<16xf32>,
      %mul3A_557 = arith.mulf %convert_element_type3A_554, %get3A_556 : vector<16xf32>
      %add3A_558 = arith.addf %add3A_549, %mul3A_557 : vector<16xf32>
      %add3A_559 = arith.constant 18432 : i32
      %add3A_560 = arith.addi %add3A_559, %multiple_of3A_343 : i32
      %get3A_561 = arith.index_cast %add3A_560 : i32 to index
      %get3A_562 = tpu.vector_load %arg6[%get3A_561] {strides = array<i32>} : memref<19968xi32, #tpu.memory_space<vmem>>, vector<16xi32>,
      %convert_element_type3A_563 = arith.sitofp %get3A_562 : vector<16xi32> to vector<16xf32>
      %get3A_564 = arith.constant 160 : index
      %get3A_565 = tpu.vector_load %arg9[%get3A_564] {strides = array<i32>} : memref<208xf32, #tpu.memory_space<vmem>>, vector<16xf32>,
      %mul3A_566 = arith.mulf %convert_element_type3A_563, %get3A_565 : vector<16xf32>
      %add3A_567 = arith.addf %add3A_558, %mul3A_566 : vector<16xf32>
      %add3A_568 = arith.constant 18944 : i32
      %add3A_569 = arith.addi %add3A_568, %multiple_of3A_343 : i32
      %get3A_570 = arith.index_cast %add3A_569 : i32 to index
      %get3A_571 = tpu.vector_load %arg6[%get3A_570] {strides = array<i32>} : memref<19968xi32, #tpu.memory_space<vmem>>, vector<16xi32>,
      %convert_element_type3A_572 = arith.sitofp %get3A_571 : vector<16xi32> to vector<16xf32>
      %get3A_573 = arith.constant 176 : index
      %get3A_574 = tpu.vector_load %arg9[%get3A_573] {strides = array<i32>} : memref<208xf32, #tpu.memory_space<vmem>>, vector<16xf32>,
      %mul3A_575 = arith.mulf %convert_element_type3A_572, %get3A_574 : vector<16xf32>
      %add3A_576 = arith.addf %add3A_567, %mul3A_575 : vector<16xf32>
      %add3A_577 = arith.constant 19456 : i32
      %add3A_578 = arith.addi %add3A_577, %multiple_of3A_343 : i32
      %get3A_579 = arith.index_cast %add3A_578 : i32 to index
      %get3A_580 = tpu.vector_load %arg6[%get3A_579] {strides = array<i32>} : memref<19968xi32, #tpu.memory_space<vmem>>, vector<16xi32>,
      %convert_element_type3A_581 = arith.sitofp %get3A_580 : vector<16xi32> to vector<16xf32>
      %get3A_582 = arith.constant 192 : index
      %get3A_583 = tpu.vector_load %arg9[%get3A_582] {strides = array<i32>} : memref<208xf32, #tpu.memory_space<vmem>>, vector<16xf32>,
      %mul3A_584 = arith.mulf %convert_element_type3A_581, %get3A_583 : vector<16xf32>
      %add3A_585 = arith.addf %add3A_576, %mul3A_584 : vector<16xf32>
      %swap3A = arith.index_cast %multiple_of3A_343 : i32 to index
      %swap3A_586 = tpu.vector_load %arg8[%swap3A] {strides = array<i32>} : memref<512xf32, #tpu.memory_space<vmem>>, vector<16xf32>,
      tpu.vector_store %arg8[%swap3A], %add3A_585 {strides = array<i32>} : memref<512xf32, #tpu.memory_space<vmem>>, vector<16xf32>,
    }
    %scan3A_339 = arith.constant 32 : i32
    "tpu.region"() ({
      %run_scoped3A = tpu.sem_alloc : memref<!tpu.dma_semaphore, #tpu.memory_space<semaphore_mem>>
      %dma_start3A_340 = tpu.memref_slice %arg5[%multiple_of3A] : memref<16384xf32, #tpu.memory_space<hbm>> -> memref<512xf32, #tpu.memory_space<hbm>>
      %dma_start3A_341 = tpu.memref_slice %arg5[%multiple_of3A] : memref<16384xf32, #tpu.memory_space<hbm>> -> memref<512xf32, #tpu.memory_space<hbm>>
      tpu.enqueue_dma source(%arg8 : memref<512xf32, #tpu.memory_space<vmem>>) target(%dma_start3A_341 : memref<512xf32, #tpu.memory_space<hbm>>) target_semaphore(%run_scoped3A : memref<!tpu.dma_semaphore, #tpu.memory_space<semaphore_mem>>)
      %dma_wait3A_342 = tpu.memref_slice %arg5[%multiple_of3A] : memref<16384xf32, #tpu.memory_space<hbm>> -> memref<512xf32, #tpu.memory_space<hbm>>
      %dma_wait3A_343 = tpu.memref_slice %arg5[%multiple_of3A] : memref<16384xf32, #tpu.memory_space<hbm>> -> memref<512xf32, #tpu.memory_space<hbm>>
      tpu.wait_dma2 semaphore(%run_scoped3A : memref<!tpu.dma_semaphore, #tpu.memory_space<semaphore_mem>>) src(%arg8 : memref<512xf32, #tpu.memory_space<vmem>>) dst(%dma_wait3A_343 : memref<512xf32, #tpu.memory_space<hbm>>)
      tpu.yield
    }) : () -> ()
    return
  }
}

</mosaic_0001>

<sc_bundles>
// kernel: kernel.3.cloned.1.call-start
scs
__scs_entry_jumppad:
0x0: {  	(pc) =	sbr.rel $0x88, $3  }
0x1: {  	(tag) =	ssettag $0x0;
	lr =	simm.s32 $0x1  }
0x2: {  	[smem:$0x3F9E] =	sst lr;
	_ =	strace $0xD0000000  }
0x3: {  	_ = 	snop  }
0x4: {  	_ = 	snop  }
0x5: {  	_ = 	snop  }
0x6: {  	_ = 	snop  }
0x7: {  	_ = 	snop  }
__scs_overlays_trampoline_lowered:
0x8: {  	[smem:$0x3FAD] =	sst s0  }
0x9: {  	[smem:$0x3FAE] =	sst s1  }
0xa: {  	[smem:$0x3FAF] =	sst s2  }
0xb: {  	[smem:$0x3FB0] =	sst s3  }
0xc: {  	[smem:$0x3FB1] =	sst s4  }
0xd: {  	[smem:$0x3FB2] =	sst s5  }
0xe: {  	[smem:$0x3FB3] =	sst s6  }
0xf: {  	[smem:$0x3FB4] =	sst s7  }
0x10: {  	[smem:$0x3FB5] =	sst s8  }
0x11: {  	[smem:$0x3FB6] =	sst s9;
	s0 =	simm.s32 @!p0 $0x0  }
0x12: {  	s1 =	sld [smem:$0x3F9C];
	s0 =	simm.s32 @p0 $0x1  }
0x13: {  	[smem:$0x3FB7] =	sst s0;
	s0 =	simm.s32 @!p1 $0x0  }
0x14: {  	s2 =	sld [smem:$0x3F9B];
	s0 =	simm.s32 @p1 $0x1  }
0x15: {  	[smem:$0x3FB8] =	sst s0;
	s0 =	simm.s32 @!p2 $0x0  }
0x16: {  	s3 =	sld [smem:$0x3FDB];
	s0 =	simm.s32 @p2 $0x1  }
0x17: {  	s4 =	simm.s32 $0x1BF5;
	[smem:$0x3FBA] =	sst s0  }
0x18: {  	s0 =	sld [smem:$0x3F9D];
	_ =	swait.ge [sflag:s4], $0x0  }
0x19: {  	s7 =	sld [smem:$0x3F9E]  }
0x1a: {  	s8 =	sadd.s32 $0xFFFFE003, lr  }
0x1b: {  	s9 =	sadd.s32 $0xFFFFFEF7, lr;
	s5 =	simm.s32 $0xFFFFFFFF;
	p2 =	slt.u32 s8, $0xFFFFF086  }
0x1c: {  	p1 =	slt.u32 s9, $0xF7A;
	s5 =	simm.s32 @!p2 $0x0  }
0x1d: {  	s5 =	simm.s32 @p1 $0x1;
	p0 =	seq.s32 s7, s2  }
0x1e: {  	s7 =	smul.u32 @!p0 $0xF7A, s2;
	p2 =	seq.s32 @!p0 s5, $0x0  }
0x1f: {  	s9 =	smul.u32 $0xF7A, s1;
	s8 =	simm.s32 @!p0 $0x1BF5;
	p2 =	por !p2, p0  }
0x20: {  	[sflag:s8] =	ssyncset.s32 @!p0 $0xFFFFF086;
	s6 =	sadd.s32 @!p0 s3, s7;
	s7 =	simm.s32 @!p0 $0x108  }
0x21: {  	s3 =	sadd.s32 s3, s9;
	s6 =	sadd.s32 @!p0 $0x88, s6;
	s7 =	simm.s32 @p2 $0x1082  }
0x22: {  	[simem:s7], [sflag:s8] =	dma.local @!p0 [hbm:s6], $0xF7A  }
0x23: {  	s9 =	sor.u32 $0xD0000000, s2;
	s6 =	simm.s32 $0x108;
	_ =	swait.ge @!p0 [sflag:s8], $0x0  }
0x24: {  	s3 =	sadd.s32 $0x88, s3;
	s6 =	simm.s32 @!p1 $0x1082;
	[sflag:s4] =	ssyncset.s32 $0xFFFFF086  }
0x25: {  	[simem:s6], [sflag:s4] =	dma.local [hbm:s3], $0xF7A  }
0x26: {  	[smem:$0x3F9E] =	sst s1;
	(tag) =	ssettag s2;
	_ =	strace s9  }
0x27: {  	s1 =	sld [smem:$0x3FAE]  }
0x28: {  	s2 =	sld [smem:$0x3FAF]  }
0x29: {  	s4 =	sld [smem:$0x3FB1]  }
0x2a: {  	p0 =	seq.s32 s5, $0x0;
	s5 =	sld [smem:$0x3FB2]  }
0x2b: {  	s6 =	sld [smem:$0x3FB3]  }
0x2c: {  	s7 =	sld [smem:$0x3FB4]  }
0x2d: {  	s3 =	simm.s32 $0x108;
	s8 =	sld [smem:$0x3FB5]  }
0x2e: {  	s3 =	simm.s32 @!p0 $0x1082;
	s9 =	sld [smem:$0x3FB6]  }
0x2f: {  	lr =	sadd.s32 s0, s3;
	s0 =	sld [smem:$0x3FAD]  }
0x30: {  	s3 =	sld [smem:$0x3FB0]  }
0x31: {  	[smem:$0x3FB9] =	sst s10  }
0x32: {  	s10 =	sld [smem:$0x3FB7];
	_ =	sdelay $0x3  }
0x33: {  	p0 =	seq.s32 s10, $0x1;
	s10 =	sld [smem:$0x3FB9];
	_ =	sdelay $0x3  }
0x34: {  	[smem:$0x3FB9] =	sst s10  }
0x35: {  	s10 =	sld [smem:$0x3FB8];
	_ =	sdelay $0x3  }
0x36: {  	p1 =	seq.s32 s10, $0x1;
	s10 =	sld [smem:$0x3FB9];
	_ =	sdelay $0x3  }
0x37: {  	[smem:$0x3FB9] =	sst s10  }
0x38: {  	s10 =	sld [smem:$0x3FBA]  }
0x39: {  	_ = 	snop;
	(pc) =	sbr.ind lr, $3  }
0x3a: {  	_ = 	snop  }
0x3b: {  	_ = 	snop  }
0x3c: {  	p2 =	seq.s32 s10, $0x1;
	s10 =	sld [smem:$0x3FB9]  }
0x3d: {  	_ =	shalt  }
0x3e: {  	_ =	shalt  }
0x3f: {  	_ =	shalt  }
0x40: {  	_ =	shalt  }
0x41: {  	_ =	shalt  }
0x42: {  	_ =	shalt  }
0x43: {  	_ =	shalt  }
0x44: {  	_ =	shalt  }
0x45: {  	_ =	shalt  }
0x46: {  	_ =	shalt  }
0x47: {  	_ =	shalt  }
0x48: {  	_ =	shalt  }
0x49: {  	_ =	shalt  }
0x4a: {  	_ =	shalt  }
0x4b: {  	_ =	shalt  }
0x4c: {  	_ =	shalt  }
0x4d: {  	_ =	shalt  }
0x4e: {  	_ =	shalt  }
0x4f: {  	_ =	shalt  }
0x50: {  	_ =	shalt  }
0x51: {  	_ =	shalt  }
0x52: {  	_ =	shalt  }
0x53: {  	_ =	shalt  }
0x54: {  	_ =	shalt  }
0x55: {  	_ =	shalt  }
0x56: {  	_ =	shalt  }
0x57: {  	_ =	shalt  }
0x58: {  	_ =	shalt  }
0x59: {  	_ =	shalt  }
0x5a: {  	_ =	shalt  }
0x5b: {  	_ =	shalt  }
0x5c: {  	_ =	shalt  }
0x5d: {  	_ =	shalt  }
0x5e: {  	_ =	shalt  }
0x5f: {  	_ =	shalt  }
0x60: {  	_ =	shalt  }
0x61: {  	_ =	shalt  }
0x62: {  	_ =	shalt  }
0x63: {  	_ =	shalt  }
0x64: {  	_ =	shalt  }
0x65: {  	_ =	shalt  }
0x66: {  	_ =	shalt  }
0x67: {  	_ =	shalt  }
0x68: {  	_ =	shalt  }
0x69: {  	_ =	shalt  }
0x6a: {  	_ =	shalt  }
0x6b: {  	_ =	shalt  }
0x6c: {  	_ =	shalt  }
0x6d: {  	_ =	shalt  }
0x6e: {  	_ =	shalt  }
0x6f: {  	_ =	shalt  }
0x70: {  	_ =	shalt  }
0x71: {  	_ =	shalt  }
0x72: {  	_ =	shalt  }
0x73: {  	_ =	shalt  }
0x74: {  	_ =	shalt  }
0x75: {  	_ =	shalt  }
0x76: {  	_ =	shalt  }
0x77: {  	_ =	shalt  }
0x78: {  	_ =	shalt  }
0x79: {  	_ =	shalt  }
0x7a: {  	_ =	shalt  }
0x7b: {  	_ =	shalt  }
0x7c: {  	_ =	shalt  }
0x7d: {  	_ =	shalt  }
0x7e: {  	_ =	shalt  }
0x7f: {  	_ =	shalt  }
0x80: {  	_ =	shalt  }
0x81: {  	_ =	shalt  }
0x82: {  	_ =	shalt  }
0x83: {  	_ =	shalt  }
0x84: {  	_ =	shalt  }
0x85: {  	_ =	shalt  }
0x86: {  	_ =	shalt  }
0x87: {  	_ =	shalt  }
.Lfunc_end0:
.L_simem_size_0:
called_computation_lowered:
.L_overlay_start_0:
0x88: {  	s2 =	sld [smem:$0x3FD9]  }
0x89: {  	s3 =	sld [smem:$0x3FFE];
	_ =	sdelay $0x1  }
0x8a: {  	s1 =	srdreg.scid  }
0x8b: {  	s0 =	sand.u32 $0x1, s1  }
0x8c: {  	s17 =	sshll.u32 s0, $0xA;
	s2 =	sadd.s32 s3, s2  }
0x8d: {  	s2 =	sadd.s32 s2, s17  }
0x8e: {  	[smem:$0x3FC5] =	sst s2  }
0x8f: {  	_ = 	snop  }
0x90: {  	s2 =	sld [smem:$0x3FC8]  }
0x91: {  	s18 =	sld [smem:$0x3FD0];
	(tm) =	ssettm $0x1  }
0x92: {  	s4 =	sld [smem:$0x3FFB];
	_ =	sdelay $0x3  }
0x93: {  	_ =	strace s4  }
0x94: {  	s4 =	sld [smem:$0x3FFC];
	_ =	sdelay $0x3  }
0x95: {  	_ =	strace s4  }
0x96: {  	s4 =	sld [smem:$0x3FFD];
	_ =	sdelay $0x3  }
0x97: {  	_ =	strace s4  }
0x98: {  	_ =	strace $0x8FFFFFFF  }
0x99: {  	s19 =	sld [smem:$0x3FDB];
	_ =	sdelay $0x1  }
0x9a: {  	s5 =	simm.s32 $_scs_section_size  }
0x9b: {  	s6 =	simm.s32 $_size__tile_overlayer_lowered;
	s7 =	simm.s32 $_tile_overlayer_lowered  }
0x9c: {  	s22 =	simm.s32 $0x1BFF;
	s21 =	sshll.u32 s7, $0x1;
	s4 =	sadd.s32 s5, s19  }
0x9d: {  	s8 =	simm.s32 $0x0;
	s20 =	sshll.u32 s6, $0x1;
	s6 =	sadd.s32 s21, s4  }
0x9e: {  	[timem:s8], [sflag:s22] =	dma.local [hbm:s6], s20  }
0x9f: {  	_ =	swait.ge [sflag:s22], s20  }
0xa0: {  	s5 =	ssub.s32 $0x0, s20;
	[sflag:s22] =	ssyncset.done $0x0  }
0xa1: {  	[sflag:s22] =	ssyncadd.s32 s5;
	_ =	sdelay $0x1  }
0xa2: {  	s23 =	simm.s32 $0x1B8B  }
0xa3: {  	_ =	swait.ge [sflag:s23], $0x1  }
0xa4: {  	[sflag:s23] =	ssyncset.done $0x0  }
0xa5: {  	s25 =	simm.s32 $0x1B8E;
	s24 =	sld [smem:$0x3FFE];
	[sflag:s23] =	ssyncadd.s32 $0xFFFFFFFF  }
0xa6: {  	s26 =	simm.s32 $execute0_lowered;
	[smem:$0x3FD2] =	sst s25  }
0xa7: {  	s6 =	sshll.u32 s26, $0x1;
	_ =	strace $0x80000046;
	[dreg:$0x1] =	wrdreg $0xFFFFFFFF  }
0xa8: {  	s28 =	simm.s32 $_size_execute0_lowered;
	s4 =	sadd.s32 s4, s6;
	[dreg:$0x0] =	wrdreg $0x0  }
0xa9: {  	s6 =	sshll.u32 s28, $0x1;
	[dreg:$0x2] =	wrdreg s4  }
0xaa: {  	[dreg:$0x3] =	wrdreg s6  }
0xab: {  	[dreg:$0x4] =	wrdreg $0xC0  }
0xac: {  	_ =	task [dreg:s8], $0x5FFFF  }
0xad: {  	[dreg:$0x1] =	wrdreg $0xFFFFFFFF  }
0xae: {  	[dreg:$0x0] =	wrdreg $0x60  }
0xaf: {  	[dreg:$0x2] =	wrdreg s24  }
0xb0: {  	[dreg:$0x3] =	wrdreg s2  }
0xb1: {  	[dreg:$0x4] =	wrdreg s18  }
0xb2: {  	[dreg:$0x5] =	wrdreg $0x9  }
0xb3: {  	_ =	task.clear_ibuf [dreg:s8], $0x6FFFF;
	_ =	strace $0x90000046  }
0xb4: {  	s29 =	simm.s32 $0x9;
	_ =	strace $0x80000048  }
0xb5: {  	_ =	swait.ge [sflag:s29], $0x1  }
0xb6: {  	[sflag:s29] =	ssyncadd.s32 $0xFFFFFFFF  }
0xb7: {  	_ =	strace $0x90000048  }
0xb8: {  	_ =	sfence  }
0xb9: {  	s30 =	sld [smem:$0x0];
	_ =	sdelay $0x2  }
0xba: {  	s31 =	sshll.u32 s1, $0xD;
	s1 =	sshrl.u32 s1, $0x2  }
0xbb: {  	s3 =	sand.u32 $0x4000, s31;
	s1 =	sadd.s32 s1, s30  }
0xbc: {  	s0 =	sor.u32 s3, s0;
	s1 =	sshll.u32 s1, $0x11  }
0xbd: {  	s0 =	sor.u32 s1, s0  }
0xbe: {  	s0 =	sadd.s32 $0x8F2B, s0  }
0xbf: {  	[sflag:s0] =	ssyncadd.remote.s32 $0x1  }
0xc0: {  	_ =	sfence.sel $0xFFFF  }
0xc1: {  	[dreg:$0x0] =	wrdreg $0xFFFFFFFF;
	(pc) =	sbr.abs _section_cstart, $3  }
0xc2: {  	[dreg:$0x1] =	wrdreg $0xFFFFFFFF  }
0xc3: {  	_ =	task.clear_ibuf [dreg:s8], $0x2FFFF;
	_ =	strace $0x9FFFFFFF  }
0xc4: {  	(tm) =	ssettm $0x7FFFFFFF  }
0xc5: {  	_ =	shalt  }
tec
execute0_lowered:
.L_overlay_start_1:
0x0: {  	(tag) =	ssettag $0x1  }
0x1: {  	s4 =	srdreg.scid  }
0x2: {  	s0 =	rddreg [dreg:$0x0];
	s5 =	stileid.u32;
	s4 =	sand.u32 $0x1, s4  }
0x3: {  	s1 =	rddreg [dreg:$0x1];
	s5 =	sshll.u32 s5, $0x7;
	s6 =	sshll.u32 s4, $0x6  }
0x4: {  	s2 =	rddreg [dreg:$0x2];
	s3 =	simm.s32 $0x0;
	s5 =	sor.u32 s6, s5  }
0x5: {  	[smem:$0x7FF] =	sst s3;
	s15 =	sadd.s32 s5, s0;
	s0 =	sadd.s32 $0x400, s0  }
0x6: {  	_ =	strace $0x80000047;
	s22 =	sadd.s32 s2, s5;
	[dreg:$0x4] =	wrdreg s0  }
0x7: {  	s4 =	ssub.s32 $0x2, s4;
	s29 =	sadd.s32 $0x600, s15;
	[dreg:$0x16] =	wrdreg s22  }
0x8: {  	s28 =	sshrl.u32 s4, $0x1;
	s30 =	sadd.s32 $0xE00, s15;
	[dreg:$0x5] =	wrdreg s29  }
0x9: {  	s16 =	ssub.s32 s4, s28;
	s4 =	sadd.s32 $0x1600, s15;
	[dreg:$0x6] =	wrdreg s30  }
0xa: {  	s6 =	sadd.s32 $0x1E00, s15;
	[dreg:$0x7] =	wrdreg s4  }
0xb: {  	s7 =	sadd.s32 $0x2600, s15;
	[dreg:$0x8] =	wrdreg s6  }
0xc: {  	s8 =	sadd.s32 $0x2E00, s15;
	[dreg:$0x9] =	wrdreg s7  }
0xd: {  	s9 =	sadd.s32 $0x3600, s15;
	[dreg:$0xa] =	wrdreg s8  }
0xe: {  	s10 =	sadd.s32 $0x3E00, s15;
	[dreg:$0xb] =	wrdreg s9  }
0xf: {  	s11 =	sadd.s32 $0x4600, s15;
	[dreg:$0xc] =	wrdreg s10  }
0x10: {  	s12 =	sadd.s32 $0x4E00, s15;
	[dreg:$0xd] =	wrdreg s11  }
0x11: {  	s13 =	sadd.s32 $0x5600, s15;
	[dreg:$0xe] =	wrdreg s12  }
0x12: {  	s14 =	sadd.s32 $0x5E00, s15;
	[dreg:$0xf] =	wrdreg s13  }
0x13: {  	s17 =	sadd.s32 $0x6600, s15;
	[dreg:$0x10] =	wrdreg s14  }
0x14: {  	s18 =	sadd.s32 $0x6E00, s15;
	[dreg:$0x11] =	wrdreg s17  }
0x15: {  	s19 =	sadd.s32 $0x7600, s15;
	[dreg:$0x12] =	wrdreg s18  }
0x16: {  	s20 =	sadd.s32 $0x7E00, s15;
	[dreg:$0x13] =	wrdreg s19  }
0x17: {  	s21 =	sadd.s32 $0x8600, s15;
	[dreg:$0x14] =	wrdreg s20  }
0x18: {  	s23 =	sadd.s32 $0x8E00, s15;
	s24 =	sadd.s32 $0x9600, s15;
	[dreg:$0x15] =	wrdreg s21  }
0x19: {  	s25 =	sadd.s32 $0x9E00, s15;
	s26 =	sadd.s32 $0xA600, s15;
	[dreg:$0x17] =	wrdreg s23  }
0x1a: {  	s28 =	sadd.s32 $0xAE00, s15;
	s31 =	sadd.s32 $0xC600, s15;
	[dreg:$0x18] =	wrdreg s24  }
0x1b: {  	s0 =	sadd.s32 $0xCE00, s15;
	s2 =	sadd.s32 $0xD600, s15;
	[dreg:$0x19] =	wrdreg s25  }
0x1c: {  	s5 =	sadd.s32 $0xE600, s15;
	s16 =	smax.u32 s16, $0x1;
	[dreg:$0x1a] =	wrdreg s26  }
0x1d: {  	[dreg:$0x1b] =	wrdreg s28;
	s29 =	sadd.s32 $0xB600, s15;
	s30 =	sadd.s32 $0xBE00, s15  }
0x1e: {  	s4 =	sadd.s32 $0xDE00, s15;
	s6 =	sadd.s32 $0xEE00, s15;
	s7 =	sadd.s32 $0xF600, s15  }
0x1f: {  	s8 =	sadd.s32 $0xFE00, s15;
	s9 =	sadd.s32 $0x10600, s15;
	s10 =	sadd.s32 $0x10E00, s15  }
0x20: {  	s11 =	sadd.s32 $0x11600, s15;
	s12 =	sadd.s32 $0x11E00, s15;
	s13 =	sadd.s32 $0x12600, s15  }
0x21: {  	s14 =	sadd.s32 $0x12E00, s15;
	s15 =	sadd.s32 $0x13600, s15;
	s17 =	simm.s32 $0x3  }
0x22: {  	s18 =	simm.s32 $0x2;
	s19 =	simm.s32 $0x80;
	[dreg:$0x1c] =	wrdreg s29  }
0x23: {  	s20 =	simm.s32 $0x1;
	s21 =	simm.s32 $0x0;
	[dreg:$0x1d] =	wrdreg s30  }
.LBB2_1:
0x24: {  	s22 =	rddreg [dreg:$0x5]  }
0x25: {  	[tilespmem:s3], [sflag:$0x2] =	stream.linear.gather [hbm4b:s22+s3], $0x200, $0x38;
	[tilespmem:$0x8500] =	vst v63  }
0x26: {  	s26 =	rddreg [dreg:$0x6];
	s23 =	simm.s32 $0x200  }
0x27: {  	[tilespmem:s23], [sflag:$0x2] =	stream.linear.gather [hbm4b:s26+s3], $0x200, $0x38;
	[tilespmem:$0x8500] =	vst v63  }
0x28: {  	s29 =	rddreg [dreg:$0x7];
	s30 =	simm.s32 $0x400  }
0x29: {  	[tilespmem:s30], [sflag:$0x2] =	stream.linear.gather [hbm4b:s29+s3], $0x200, $0x38;
	[tilespmem:$0x8500] =	vst v63  }
0x2a: {  	s24 =	simm.s32 $0x600;
	s23 =	rddreg [dreg:$0x8]  }
0x2b: {  	[tilespmem:s24], [sflag:$0x2] =	stream.linear.gather [hbm4b:s23+s3], $0x200, $0x38;
	[tilespmem:$0x8500] =	vst v63  }
0x2c: {  	s25 =	rddreg [dreg:$0x9];
	s26 =	simm.s32 $0x800  }
0x2d: {  	[tilespmem:s26], [sflag:$0x2] =	stream.linear.gather [hbm4b:s25+s3], $0x200, $0x38;
	[tilespmem:$0x8500] =	vst v63  }
0x2e: {  	s29 =	rddreg [dreg:$0xa];
	s30 =	simm.s32 $0xA00  }
0x2f: {  	[tilespmem:s30], [sflag:$0x2] =	stream.linear.gather [hbm4b:s29+s3], $0x200, $0x38;
	[tilespmem:$0x8500] =	vst v63  }
0x30: {  	s23 =	rddreg [dreg:$0xb];
	s24 =	simm.s32 $0xC00  }
0x31: {  	[tilespmem:s24], [sflag:$0x2] =	stream.linear.gather [hbm4b:s23+s3], $0x200, $0x38;
	[tilespmem:$0x8500] =	vst v63  }
0x32: {  	s25 =	rddreg [dreg:$0xc];
	s26 =	simm.s32 $0xE00  }
0x33: {  	[tilespmem:s26], [sflag:$0x2] =	stream.linear.gather [hbm4b:s25+s3], $0x200, $0x38;
	[tilespmem:$0x8500] =	vst v63  }
0x34: {  	s29 =	rddreg [dreg:$0xd];
	s30 =	simm.s32 $0x1000  }
0x35: {  	[tilespmem:s30], [sflag:$0x2] =	stream.linear.gather [hbm4b:s29+s3], $0x200, $0x38;
	[tilespmem:$0x8500] =	vst v63  }
0x36: {  	s23 =	rddreg [dreg:$0xe];
	s24 =	simm.s32 $0x1200  }
0x37: {  	[tilespmem:s24], [sflag:$0x2] =	stream.linear.gather [hbm4b:s23+s3], $0x200, $0x38;
	[tilespmem:$0x8500] =	vst v63  }
0x38: {  	s25 =	rddreg [dreg:$0xf];
	s26 =	simm.s32 $0x1400  }
0x39: {  	[tilespmem:s26], [sflag:$0x2] =	stream.linear.gather [hbm4b:s25+s3], $0x200, $0x38;
	[tilespmem:$0x8500] =	vst v63  }
0x3a: {  	s29 =	rddreg [dreg:$0x10];
	s30 =	simm.s32 $0x1600  }
0x3b: {  	[tilespmem:s30], [sflag:$0x2] =	stream.linear.gather [hbm4b:s29+s3], $0x200, $0x38;
	[tilespmem:$0x8500] =	vst v63  }
0x3c: {  	s23 =	rddreg [dreg:$0x11];
	s24 =	simm.s32 $0x1800  }
0x3d: {  	[tilespmem:s24], [sflag:$0x2] =	stream.linear.gather [hbm4b:s23+s3], $0x200, $0x38;
	[tilespmem:$0x8500] =	vst v63  }
0x3e: {  	s25 =	rddreg [dreg:$0x12];
	s26 =	simm.s32 $0x1A00  }
0x3f: {  	[tilespmem:s26], [sflag:$0x2] =	stream.linear.gather [hbm4b:s25+s3], $0x200, $0x38;
	[tilespmem:$0x8500] =	vst v63  }
0x40: {  	s29 =	rddreg [dreg:$0x13];
	s30 =	simm.s32 $0x1C00  }
0x41: {  	[tilespmem:s30], [sflag:$0x2] =	stream.linear.gather [hbm4b:s29+s3], $0x200, $0x38;
	[tilespmem:$0x8500] =	vst v63  }
0x42: {  	s23 =	rddreg [dreg:$0x14];
	s24 =	simm.s32 $0x1E00  }
0x43: {  	[tilespmem:s24], [sflag:$0x2] =	stream.linear.gather [hbm4b:s23+s3], $0x200, $0x38;
	[tilespmem:$0x8500] =	vst v63  }
0x44: {  	s25 =	rddreg [dreg:$0x15];
	s26 =	simm.s32 $0x2000  }
0x45: {  	[tilespmem:s26], [sflag:$0x2] =	stream.linear.gather [hbm4b:s25+s3], $0x200, $0x38;
	[tilespmem:$0x8500] =	vst v63  }
0x46: {  	s29 =	rddreg [dreg:$0x17];
	s30 =	simm.s32 $0x2200  }
0x47: {  	[tilespmem:s30], [sflag:$0x2] =	stream.linear.gather [hbm4b:s29+s3], $0x200, $0x38;
	[tilespmem:$0x8500] =	vst v63  }
0x48: {  	s23 =	rddreg [dreg:$0x18];
	s24 =	simm.s32 $0x2400  }
0x49: {  	[tilespmem:s24], [sflag:$0x2] =	stream.linear.gather [hbm4b:s23+s3], $0x200, $0x38;
	[tilespmem:$0x8500] =	vst v63  }
0x4a: {  	s25 =	rddreg [dreg:$0x19];
	s26 =	simm.s32 $0x2600  }
0x4b: {  	[tilespmem:s26], [sflag:$0x2] =	stream.linear.gather [hbm4b:s25+s3], $0x200, $0x38;
	[tilespmem:$0x8500] =	vst v63  }
0x4c: {  	s29 =	rddreg [dreg:$0x1a];
	s30 =	simm.s32 $0x2800  }
0x4d: {  	[tilespmem:s30], [sflag:$0x2] =	stream.linear.gather [hbm4b:s29+s3], $0x200, $0x38;
	[tilespmem:$0x8500] =	vst v63  }
0x4e: {  	s23 =	rddreg [dreg:$0x1b];
	s24 =	simm.s32 $0x2A00  }
0x4f: {  	[tilespmem:s24], [sflag:$0x2] =	stream.linear.gather [hbm4b:s23+s3], $0x200, $0x38;
	[tilespmem:$0x8500] =	vst v63  }
0x50: {  	s25 =	rddreg [dreg:$0x1c];
	s26 =	simm.s32 $0x2C00  }
0x51: {  	[tilespmem:s26], [sflag:$0x2] =	stream.linear.gather [hbm4b:s25+s3], $0x200, $0x38;
	[tilespmem:$0x8500] =	vst v63  }
0x52: {  	s29 =	rddreg [dreg:$0x1d];
	s30 =	simm.s32 $0x2E00  }
0x53: {  	[tilespmem:s30], [sflag:$0x2] =	stream.linear.gather [hbm4b:s29+s3], $0x200, $0x38;
	[tilespmem:$0x8500] =	vst v63  }
0x54: {  	s24 =	simm.s32 $0x3000  }
0x55: {  	[tilespmem:s24], [sflag:$0x2] =	stream.linear.gather [hbm4b:s31+s3], $0x200, $0x38;
	[tilespmem:$0x8500] =	vst v63  }
0x56: {  	s25 =	simm.s32 $0x3200  }
0x57: {  	[tilespmem:s25], [sflag:$0x2] =	stream.linear.gather [hbm4b:s0+s3], $0x200, $0x38;
	[tilespmem:$0x8500] =	vst v63  }
0x58: {  	s26 =	simm.s32 $0x3400  }
0x59: {  	[tilespmem:s26], [sflag:$0x2] =	stream.linear.gather [hbm4b:s2+s3], $0x200, $0x38;
	[tilespmem:$0x8500] =	vst v63  }
0x5a: {  	s29 =	simm.s32 $0x3600  }
0x5b: {  	[tilespmem:s29], [sflag:$0x2] =	stream.linear.gather [hbm4b:s4+s3], $0x200, $0x38;
	[tilespmem:$0x8500] =	vst v63  }
0x5c: {  	s30 =	simm.s32 $0x3800  }
0x5d: {  	[tilespmem:s30], [sflag:$0x2] =	stream.linear.gather [hbm4b:s5+s3], $0x200, $0x38;
	[tilespmem:$0x8500] =	vst v63  }
0x5e: {  	s23 =	simm.s32 $0x3A00  }
0x5f: {  	[tilespmem:s23], [sflag:$0x2] =	stream.linear.gather [hbm4b:s6+s3], $0x200, $0x38;
	[tilespmem:$0x8500] =	vst v63  }
0x60: {  	s24 =	simm.s32 $0x3C00  }
0x61: {  	[tilespmem:s24], [sflag:$0x2] =	stream.linear.gather [hbm4b:s7+s3], $0x200, $0x38;
	[tilespmem:$0x8500] =	vst v63  }
0x62: {  	s25 =	simm.s32 $0x3E00  }
0x63: {  	[tilespmem:s25], [sflag:$0x2] =	stream.linear.gather [hbm4b:s8+s3], $0x200, $0x38;
	[tilespmem:$0x8500] =	vst v63  }
0x64: {  	s26 =	simm.s32 $0x4000  }
0x65: {  	[tilespmem:s26], [sflag:$0x2] =	stream.linear.gather [hbm4b:s9+s3], $0x200, $0x38;
	[tilespmem:$0x8500] =	vst v63  }
0x66: {  	s29 =	simm.s32 $0x4200  }
0x67: {  	[tilespmem:s29], [sflag:$0x2] =	stream.linear.gather [hbm4b:s10+s3], $0x200, $0x38;
	[tilespmem:$0x8500] =	vst v63  }
0x68: {  	s30 =	simm.s32 $0x4400  }
0x69: {  	[tilespmem:s30], [sflag:$0x2] =	stream.linear.gather [hbm4b:s11+s3], $0x200, $0x38;
	[tilespmem:$0x8500] =	vst v63  }
0x6a: {  	s23 =	simm.s32 $0x4600  }
0x6b: {  	[tilespmem:s23], [sflag:$0x2] =	stream.linear.gather [hbm4b:s12+s3], $0x200, $0x38;
	[tilespmem:$0x8500] =	vst v63  }
0x6c: {  	s24 =	simm.s32 $0x4800  }
0x6d: {  	[tilespmem:s24], [sflag:$0x2] =	stream.linear.gather [hbm4b:s13+s3], $0x200, $0x38;
	[tilespmem:$0x8500] =	vst v63  }
0x6e: {  	s25 =	simm.s32 $0x4A00  }
0x6f: {  	[tilespmem:s25], [sflag:$0x2] =	stream.linear.gather [hbm4b:s14+s3], $0x200, $0x38;
	[tilespmem:$0x8500] =	vst v63  }
0x70: {  	s26 =	simm.s32 $0x4C00  }
0x71: {  	[tilespmem:s26], [sflag:$0x2] =	stream.linear.gather [hbm4b:s15+s3], $0x200, $0x38;
	[tilespmem:$0x8500] =	vst v63  }
0x72: {  	s29 =	rddreg [dreg:$0x4];
	s30 =	simm.s32 $0x8400  }
0x73: {  	[tilespmem:s30], [sflag:$0x3] =	stream.linear.gather [hbm4b:s29+s3], $0x100, $0x38;
	[tilespmem:$0x8500] =	vst v63  }
0x74: {  	_ =	swait.ge [sflag:s17], $0x100  }
0x75: {  	[sflag:s17] =	ssyncset.done $0x0  }
0x76: {  	[sflag:s17] =	ssyncadd.s32 $0xFFFFFF00  }
0x77: {  	s28 =	simm.s32 $0x180;
	s22 =	sadd.s32 $0x1E850, s1;
	_ =	swait.ge [sflag:s18], $0x4E00  }
0x78: {  	s23 =	simm.s32 $0x0;
	s24 =	simm.s32 $0x4E00;
	[sflag:s18] =	ssyncset.done $0x0  }
0x79: {  	s25 =	simm.s32 $0x4E80;
	s26 =	simm.s32 $0x80;
	[sflag:s18] =	ssyncadd.s32 $0xFFFFB200  }
0x7a: {  	[tilespmem:s24], [sflag:$0x1] =	stream.indirect.gather [hbm4b:s1+s19], $0x1, s23, s19, $0xb8;
	[tilespmem:$0x8500] =	vst v63  }
0x7b: {  	s29 =	simm.s32 $0x4F00;
	s30 =	simm.s32 $0x100;
	s23 =	simm.s32 $0x200  }
0x7c: {  	[tilespmem:s25], [sflag:$0x1] =	stream.indirect.gather [hbm4b:s1+s19], $0x1, s26, s19, $0xb8;
	[tilespmem:$0x8500] =	vst v63  }
0x7d: {  	s24 =	smov.u32 s1;
	s25 =	simm.s32 $0x1000;
	s26 =	simm.s32 $0x4F80  }
0x7e: {  	[tilespmem:s29], [sflag:$0x1] =	stream.indirect.gather [hbm4b:s1+s19], $0x1, s30, s19, $0xb8;
	[tilespmem:$0x8500] =	vst v63  }
.LBB2_2:
0x7f: {  	[tilespmem:s26], [sflag:$0x1] =	stream.indirect.gather [hbm4b:s24+s19], $0x1, s28, s19, $0xb8;
	[tilespmem:$0x8500] =	vst v63  }
0x80: {  	s28 =	smov.u32 s23;
	s23 =	smov.u32 s25;
	s24 =	smov.u32 s22  }
0x81: {  	s29 =	sadd.s32 $0x800, s25;
	s23 =	sshra.s32 s23, $0x2;
	s26 =	sadd.s32 $0x4E00, s28  }
0x82: {  	[tilespmem:s26], [sflag:$0x1] =	stream.indirect.gather [hbm4b:s22+s19], $0x1, s28, s19, $0xb8;
	[tilespmem:$0x8500] =	vst v63  }
0x83: {  	p0 =	sne.s32 s25, $0xC800;
	s30 =	sadd.s32 $0x80, s28;
	s26 =	sadd.s32 $0x4E80, s28  }
0x84: {  	[tilespmem:s26], [sflag:$0x1] =	stream.indirect.gather [hbm4b:s22+s19], $0x1, s30, s19, $0xb8;
	[tilespmem:$0x8500] =	vst v63  }
.Ltmp0:
0x85: {  	_ = 	snop;
	(pc) =	sbr.rel @p0 .LBB2_2-.Ltmp0, $4  }
0x86: {  	s25 =	sadd.s32 $0x4F00, s28;
	s26 =	sadd.s32 $0x100, s28  }
0x87: {  	[tilespmem:s25], [sflag:$0x1] =	stream.indirect.gather [hbm4b:s22+s19], $0x1, s26, s19, $0xb8;
	[tilespmem:$0x8500] =	vst v63  }
0x88: {  	s26 =	sadd.s32 $0x4F80, s28  }
0x89: {  	s28 =	sadd.s32 $0x180, s28;
	s22 =	sadd.s32 $0x1E850, s22;
	s25 =	smov.u32 s29  }
0x8a: {  	[tilespmem:s26], [sflag:$0x1] =	stream.indirect.gather [hbm4b:s24+s19], $0x1, s28, s19, $0xb8;
	[tilespmem:$0x8500] =	vst v63  }
0x8b: {  	s26 =	sadd.s32 $0x4E00, s23  }
0x8c: {  	[tilespmem:s26], [sflag:$0x1] =	stream.indirect.gather [hbm4b:s22+s19], $0x1, s23, s19, $0xb8;
	[tilespmem:$0x8500] =	vst v63  }
0x8d: {  	s28 =	sadd.s32 $0x4E80, s23;
	s25 =	sadd.s32 $0x80, s23  }
0x8e: {  	[tilespmem:s28], [sflag:$0x1] =	stream.indirect.gather [hbm4b:s22+s19], $0x1, s25, s19, $0xb8;
	[tilespmem:$0x8500] =	vst v63  }
0x8f: {  	s29 =	sadd.s32 $0x4F00, s23;
	s30 =	sadd.s32 $0x100, s23  }
0x90: {  	[tilespmem:s29], [sflag:$0x1] =	stream.indirect.gather [hbm4b:s22+s19], $0x1, s30, s19, $0xb8;
	[tilespmem:$0x8500] =	vst v63  }
0x91: {  	s26 =	sadd.s32 $0x180, s23;
	s25 =	sadd.s32 $0x4F80, s23  }
0x92: {  	[tilespmem:s25], [sflag:$0x1] =	stream.indirect.gather [hbm4b:s22+s19], $0x1, s26, s19, $0xb8;
	[tilespmem:$0x8500] =	vst v63  }
0x93: {  	_ =	swait.ge [sflag:s20], $0x3400  }
0x94: {  	s28 =	simm.s32 $0x0;
	[sflag:s20] =	ssyncset.done $0x0  }
0x95: {  	s22 =	sand.u32 $0x1F0, s28;
	[sflag:s20] =	ssyncadd.s32 $0xFFFFCC00  }
0x96: {  	s29 =	simm.s32 $0x4E00;
	v0 =	vld [tilespmem:s22+$0x5000]  }
0x97: {  	v1 =	vld [tilespmem:s29+$0x0];
	_ =	sdelay $0x1  }
0x98: {  	v2 =	vld [tilespmem:s22+$0x5200];
	_ =	sdelay $0x1  }
0x99: {  	v3 =	vld [tilespmem:s22+$0x5400]  }
0x9a: {  	v0 =	vadd.f32 v0, v1  }
0x9b: {  	v1 =	vld [tilespmem:s22+$0x5600]  }
0x9c: {  	v0 =	vadd.f32 v2, v0  }
0x9d: {  	v2 =	vld [tilespmem:s22+$0x5800]  }
0x9e: {  	v0 =	vadd.f32 v3, v0  }
0x9f: {  	v3 =	vld [tilespmem:s22+$0x5A00]  }
0xa0: {  	v0 =	vadd.f32 v1, v0  }
0xa1: {  	v1 =	vld [tilespmem:s22+$0x5C00]  }
0xa2: {  	v0 =	vadd.f32 v2, v0  }
0xa3: {  	v2 =	vld [tilespmem:s22+$0x5E00]  }
0xa4: {  	v0 =	vadd.f32 v3, v0  }
0xa5: {  	v3 =	vld [tilespmem:s22+$0x6000]  }
0xa6: {  	v0 =	vadd.f32 v1, v0  }
0xa7: {  	v1 =	vld [tilespmem:s22+$0x6200]  }
0xa8: {  	v0 =	vadd.f32 v2, v0  }
0xa9: {  	v2 =	vld [tilespmem:s22+$0x6400]  }
0xaa: {  	v0 =	vadd.f32 v3, v0  }
0xab: {  	v3 =	vld [tilespmem:s22+$0x6600]  }
0xac: {  	v0 =	vadd.f32 v1, v0  }
0xad: {  	v1 =	vld [tilespmem:s22+$0x6800]  }
0xae: {  	v0 =	vadd.f32 v2, v0  }
0xaf: {  	v2 =	vld [tilespmem:s22+$0x6A00]  }
0xb0: {  	v0 =	vadd.f32 v3, v0  }
0xb1: {  	v3 =	vld [tilespmem:s22+$0x6C00]  }
0xb2: {  	v0 =	vadd.f32 v1, v0  }
0xb3: {  	v1 =	vld [tilespmem:s22+$0x6E00]  }
0xb4: {  	v0 =	vadd.f32 v2, v0  }
0xb5: {  	v2 =	vld [tilespmem:s22+$0x7000]  }
0xb6: {  	v0 =	vadd.f32 v3, v0  }
0xb7: {  	v3 =	vld [tilespmem:s22+$0x7200]  }
0xb8: {  	v0 =	vadd.f32 v1, v0  }
0xb9: {  	v1 =	vld [tilespmem:s22+$0x7400]  }
0xba: {  	v0 =	vadd.f32 v2, v0  }
0xbb: {  	v2 =	vld [tilespmem:s22+$0x7600]  }
0xbc: {  	v0 =	vadd.f32 v3, v0  }
0xbd: {  	v3 =	vld [tilespmem:s22+$0x7800]  }
0xbe: {  	v0 =	vadd.f32 v1, v0  }
0xbf: {  	v1 =	vld [tilespmem:s22+$0x7A00]  }
0xc0: {  	v4 =	vld [tilespmem:s22+$0x7C00];
	v0 =	vadd.f32 v2, v0  }
0xc1: {  	v5 =	vld [tilespmem:s22+$0x3400]  }
0xc2: {  	v6 =	vld [tilespmem:s22+$0x3600];
	v0 =	vadd.f32 v3, v0  }
0xc3: {  	v3 =	vld [tilespmem:s22+$0x7E00]  }
0xc4: {  	v2 =	vld [tilespmem:s22+$0x8000];
	v0 =	vadd.f32 v1, v0  }
0xc5: {  	v1 =	vld [tilespmem:$0x8400]  }
0xc6: {  	v47 =	vld [tilespmem:$0x8410];
	v0 =	vadd.f32 v4, v0  }
0xc7: {  	v7 =	vld [tilespmem:s22+$0x3800]  }
0xc8: {  	v48 =	vld [tilespmem:$0x8420];
	v0 =	vadd.f32 v3, v0;
	v3 =	vcvt.s32.f32 v5  }
0xc9: {  	v8 =	vld [tilespmem:s22+$0x3A00]  }
0xca: {  	v49 =	vld [tilespmem:s22+$0x3C00];
	v0 =	vadd.f32 v2, v0;
	v1 =	vmul.f32 v3, v1;
	v2 =	vcvt.s32.f32 v6  }
0xcb: {  	v3 =	vld [tilespmem:$0x8430]  }
0xcc: {  	v50 =	vld [tilespmem:$0x8440];
	v0 =	vadd.f32 v1, v0;
	v1 =	vmul.f32 v2, v47;
	v2 =	vcvt.s32.f32 v7  }
0xcd: {  	v51 =	vld [tilespmem:s22+$0x3E00]  }
0xce: {  	v52 =	vld [tilespmem:$0x8450];
	v0 =	vadd.f32 v1, v0;
	v1 =	vmul.f32 v2, v48;
	v2 =	vcvt.s32.f32 v8  }
0xcf: {  	v53 =	vld [tilespmem:s22+$0x4000]  }
0xd0: {  	v54 =	vld [tilespmem:s22+$0x4200];
	v0 =	vadd.f32 v1, v0;
	v1 =	vmul.f32 v2, v3;
	v2 =	vcvt.s32.f32 v49  }
0xd1: {  	v3 =	vld [tilespmem:$0x8460]  }
0xd2: {  	v55 =	vld [tilespmem:$0x8470];
	v0 =	vadd.f32 v1, v0;
	v1 =	vmul.f32 v2, v50;
	v2 =	vcvt.s32.f32 v51  }
0xd3: {  	v56 =	vld [tilespmem:s22+$0x4400]  }
0xd4: {  	v57 =	vld [tilespmem:$0x8480];
	v0 =	vadd.f32 v1, v0;
	v1 =	vmul.f32 v2, v52;
	v2 =	vcvt.s32.f32 v53  }
0xd5: {  	v58 =	vld [tilespmem:s22+$0x4600]  }
0xd6: {  	v59 =	vld [tilespmem:s22+$0x4800];
	v0 =	vadd.f32 v1, v0;
	v1 =	vmul.f32 v2, v3;
	v2 =	vcvt.s32.f32 v54  }
0xd7: {  	v3 =	vld [tilespmem:$0x8490]  }
0xd8: {  	v60 =	vld [tilespmem:$0x84A0];
	v0 =	vadd.f32 v1, v0;
	v1 =	vmul.f32 v2, v55;
	v2 =	vcvt.s32.f32 v56  }
0xd9: {  	v61 =	vld [tilespmem:s22+$0x4A00]  }
0xda: {  	v62 =	vld [tilespmem:$0x84B0];
	v0 =	vadd.f32 v1, v0;
	v1 =	vmul.f32 v2, v57;
	v2 =	vcvt.s32.f32 v58  }
0xdb: {  	v63 =	vld [tilespmem:s22+$0x4C00]  }
0xdc: {  	v0 =	vadd.f32 v1, v0;
	v1 =	vmul.f32 v2, v3;
	v2 =	vcvt.s32.f32 v59  }
0xdd: {  	v3 =	vld [tilespmem:$0x84C0]  }
0xde: {  	v0 =	vadd.f32 v1, v0;
	v1 =	vmul.f32 v2, v60;
	v2 =	vcvt.s32.f32 v61;
	_ =	sdelay $0x1  }
0xdf: {  	v0 =	vadd.f32 v1, v0;
	v1 =	vmul.f32 v2, v62;
	v2 =	vcvt.s32.f32 v63;
	_ =	sdelay $0x1  }
0xe0: {  	v0 =	vadd.f32 v1, v0;
	v1 =	vmul.f32 v2, v3;
	_ =	sdelay $0x1  }
0xe1: {  	v0 =	vadd.f32 v1, v0  }
0xe2: {  	s30 =	simm.s32 $0x10;
	s22 =	simm.s32 $0x8200  }
0xe3: {  	s23 =	sand.u32 $0x1F0, s30;
	[tilespmem:s22+$0x0] =	vst v0  }
0xe4: {  	s24 =	simm.s32 $0x4E10;
	s25 =	simm.s32 $0x20;
	v0 =	vld [tilespmem:s23+$0x5000]  }
.LBB2_4:
0xe5: {  	p0 =	sne.s32 s25, $0x1F0;
	v1 =	vld [tilespmem:s24+$0x0];
	_ =	sdelay $0x1  }
0xe6: {  	v2 =	vld [tilespmem:s23+$0x5200];
	_ =	sdelay $0x1  }
0xe7: {  	v3 =	vld [tilespmem:s23+$0x5400]  }
0xe8: {  	v0 =	vadd.f32 v0, v1  }
0xe9: {  	v1 =	vld [tilespmem:s23+$0x5600]  }
0xea: {  	v0 =	vadd.f32 v2, v0  }
0xeb: {  	v2 =	vld [tilespmem:s23+$0x5800]  }
0xec: {  	v0 =	vadd.f32 v3, v0  }
0xed: {  	v3 =	vld [tilespmem:s23+$0x5A00]  }
0xee: {  	v0 =	vadd.f32 v1, v0  }
0xef: {  	v1 =	vld [tilespmem:s23+$0x5C00]  }
0xf0: {  	v0 =	vadd.f32 v2, v0  }
0xf1: {  	v2 =	vld [tilespmem:s23+$0x5E00]  }
0xf2: {  	v0 =	vadd.f32 v3, v0  }
0xf3: {  	v3 =	vld [tilespmem:s23+$0x6000]  }
0xf4: {  	v0 =	vadd.f32 v1, v0  }
0xf5: {  	v1 =	vld [tilespmem:s23+$0x6200]  }
0xf6: {  	v0 =	vadd.f32 v2, v0  }
0xf7: {  	v2 =	vld [tilespmem:s23+$0x6400]  }
0xf8: {  	v0 =	vadd.f32 v3, v0  }
0xf9: {  	v3 =	vld [tilespmem:s23+$0x6600]  }
0xfa: {  	v0 =	vadd.f32 v1, v0  }
0xfb: {  	v1 =	vld [tilespmem:s23+$0x6800]  }
0xfc: {  	v0 =	vadd.f32 v2, v0  }
0xfd: {  	v2 =	vld [tilespmem:s23+$0x6A00]  }
0xfe: {  	v0 =	vadd.f32 v3, v0  }
0xff: {  	v3 =	vld [tilespmem:s23+$0x6C00]  }
0x100: {  	v0 =	vadd.f32 v1, v0  }
0x101: {  	v1 =	vld [tilespmem:s23+$0x6E00]  }
0x102: {  	v0 =	vadd.f32 v2, v0  }
0x103: {  	v2 =	vld [tilespmem:s23+$0x7000]  }
0x104: {  	v0 =	vadd.f32 v3, v0  }
0x105: {  	v3 =	vld [tilespmem:s23+$0x7200]  }
0x106: {  	v0 =	vadd.f32 v1, v0  }
0x107: {  	v1 =	vld [tilespmem:s23+$0x7400]  }
0x108: {  	v0 =	vadd.f32 v2, v0  }
0x109: {  	v2 =	vld [tilespmem:s23+$0x7600]  }
0x10a: {  	v0 =	vadd.f32 v3, v0  }
0x10b: {  	v3 =	vld [tilespmem:s23+$0x7800]  }
0x10c: {  	v0 =	vadd.f32 v1, v0  }
0x10d: {  	v1 =	vld [tilespmem:s23+$0x7A00]  }
0x10e: {  	v0 =	vadd.f32 v2, v0;
	v2 =	vld [tilespmem:s23+$0x8000]  }
0x10f: {  	v4 =	vld [tilespmem:s23+$0x7C00]  }
0x110: {  	v0 =	vadd.f32 v3, v0;
	v3 =	vld [tilespmem:s23+$0x7E00]  }
0x111: {  	v5 =	vld [tilespmem:s23+$0x3400]  }
0x112: {  	v0 =	vadd.f32 v1, v0;
	v1 =	vld [tilespmem:$0x8400]  }
0x113: {  	v6 =	vld [tilespmem:s23+$0x3600]  }
0x114: {  	v0 =	vadd.f32 v4, v0;
	v4 =	vld [tilespmem:$0x8410]  }
0x115: {  	v7 =	vld [tilespmem:s23+$0x3800]  }
0x116: {  	v0 =	vadd.f32 v3, v0;
	v3 =	vcvt.s32.f32 v5;
	v5 =	vld [tilespmem:$0x8420]  }
0x117: {  	v8 =	vld [tilespmem:s23+$0x3A00]  }
0x118: {  	v0 =	vadd.f32 v2, v0;
	v1 =	vmul.f32 v3, v1;
	v2 =	vcvt.s32.f32 v6;
	v3 =	vld [tilespmem:$0x8430]  }
0x119: {  	v6 =	vld [tilespmem:s23+$0x3C00]  }
0x11a: {  	v0 =	vadd.f32 v1, v0;
	v1 =	vmul.f32 v2, v4;
	v2 =	vcvt.s32.f32 v7;
	v4 =	vld [tilespmem:$0x8440]  }
0x11b: {  	v7 =	vld [tilespmem:s23+$0x3E00]  }
0x11c: {  	v0 =	vadd.f32 v1, v0;
	v1 =	vmul.f32 v2, v5;
	v2 =	vcvt.s32.f32 v8;
	v5 =	vld [tilespmem:$0x8450]  }
0x11d: {  	v8 =	vld [tilespmem:s23+$0x4000]  }
0x11e: {  	v0 =	vadd.f32 v1, v0;
	v1 =	vmul.f32 v2, v3;
	v2 =	vcvt.s32.f32 v6;
	v3 =	vld [tilespmem:$0x8460]  }
0x11f: {  	v6 =	vld [tilespmem:s23+$0x4200]  }
0x120: {  	v0 =	vadd.f32 v1, v0;
	v1 =	vmul.f32 v2, v4;
	v2 =	vcvt.s32.f32 v7;
	v4 =	vld [tilespmem:$0x8470]  }
0x121: {  	v7 =	vld [tilespmem:s23+$0x4400]  }
0x122: {  	v0 =	vadd.f32 v1, v0;
	v1 =	vmul.f32 v2, v5;
	v2 =	vcvt.s32.f32 v8;
	v5 =	vld [tilespmem:$0x8480]  }
0x123: {  	v8 =	vld [tilespmem:s23+$0x4600]  }
0x124: {  	v0 =	vadd.f32 v1, v0;
	v1 =	vmul.f32 v2, v3;
	v2 =	vcvt.s32.f32 v6;
	v3 =	vld [tilespmem:$0x8490]  }
0x125: {  	v6 =	vld [tilespmem:s23+$0x4800]  }
0x126: {  	v0 =	vadd.f32 v1, v0;
	v1 =	vmul.f32 v2, v4;
	v2 =	vcvt.s32.f32 v7;
	v4 =	vld [tilespmem:$0x84A0]  }
0x127: {  	v7 =	vld [tilespmem:s23+$0x4A00]  }
0x128: {  	v0 =	vadd.f32 v1, v0;
	v1 =	vmul.f32 v2, v5;
	v2 =	vcvt.s32.f32 v8;
	v5 =	vld [tilespmem:$0x84B0]  }
0x129: {  	v8 =	vld [tilespmem:s23+$0x4C00]  }
0x12a: {  	v0 =	vadd.f32 v1, v0;
	v1 =	vmul.f32 v2, v3;
	v2 =	vcvt.s32.f32 v6  }
0x12b: {  	v3 =	vld [tilespmem:$0x84C0]  }
0x12c: {  	v0 =	vadd.f32 v1, v0;
	v1 =	vmul.f32 v2, v4;
	v2 =	vcvt.s32.f32 v7;
	_ =	sdelay $0x1  }
0x12d: {  	v0 =	vadd.f32 v1, v0;
	v1 =	vmul.f32 v2, v5;
	v2 =	vcvt.s32.f32 v8;
	_ =	sdelay $0x1  }
0x12e: {  	v0 =	vadd.f32 v1, v0;
	v1 =	vmul.f32 v2, v3  }
.Ltmp1:
0x12f: {  	(pc) =	sbr.rel @p0 .LBB2_4-.Ltmp1, $4  }
0x130: {  	v0 =	vadd.f32 v1, v0  }
0x131: {  	s22 =	sadd.s32 $0x10, s22  }
0x132: {  	s23 =	sand.u32 $0x1F0, s25;
	[tilespmem:s22+$0x0] =	vst v0  }
0x133: {  	s24 =	sadd.s32 $0x10, s24;
	s25 =	sadd.s32 $0x10, s25;
	v0 =	vld [tilespmem:s23+$0x5000]  }
0x134: {  	v1 =	vld [tilespmem:s24+$0x0];
	_ =	sdelay $0x1  }
0x135: {  	v2 =	vld [tilespmem:s23+$0x5200];
	_ =	sdelay $0x1  }
0x136: {  	v3 =	vld [tilespmem:s23+$0x5400]  }
0x137: {  	v0 =	vadd.f32 v0, v1  }
0x138: {  	v54 =	vld [tilespmem:s23+$0x5600]  }
0x139: {  	v0 =	vadd.f32 v2, v0  }
0x13a: {  	v55 =	vld [tilespmem:s23+$0x5800]  }
0x13b: {  	v0 =	vadd.f32 v3, v0  }
0x13c: {  	v56 =	vld [tilespmem:s23+$0x5A00]  }
0x13d: {  	v0 =	vadd.f32 v54, v0  }
0x13e: {  	v57 =	vld [tilespmem:s23+$0x5C00]  }
0x13f: {  	v0 =	vadd.f32 v55, v0  }
0x140: {  	v58 =	vld [tilespmem:s23+$0x5E00]  }
0x141: {  	v0 =	vadd.f32 v56, v0  }
0x142: {  	v59 =	vld [tilespmem:s23+$0x6000]  }
0x143: {  	v0 =	vadd.f32 v57, v0  }
0x144: {  	v60 =	vld [tilespmem:s23+$0x6200]  }
0x145: {  	v0 =	vadd.f32 v58, v0  }
0x146: {  	v61 =	vld [tilespmem:s23+$0x6400]  }
0x147: {  	v0 =	vadd.f32 v59, v0  }
0x148: {  	v62 =	vld [tilespmem:s23+$0x6600]  }
0x149: {  	v0 =	vadd.f32 v60, v0  }
0x14a: {  	v63 =	vld [tilespmem:s23+$0x6800]  }
0x14b: {  	v0 =	vadd.f32 v61, v0  }
0x14c: {  	v6 =	vld [tilespmem:s23+$0x6A00]  }
0x14d: {  	v0 =	vadd.f32 v62, v0  }
0x14e: {  	v7 =	vld [tilespmem:s23+$0x6C00]  }
0x14f: {  	v0 =	vadd.f32 v63, v0  }
0x150: {  	v8 =	vld [tilespmem:s23+$0x6E00]  }
0x151: {  	v0 =	vadd.f32 v6, v0  }
0x152: {  	v9 =	vld [tilespmem:s23+$0x7000]  }
0x153: {  	v0 =	vadd.f32 v7, v0  }
0x154: {  	v10 =	vld [tilespmem:s23+$0x7200]  }
0x155: {  	v0 =	vadd.f32 v8, v0  }
0x156: {  	v11 =	vld [tilespmem:s23+$0x7400]  }
0x157: {  	v0 =	vadd.f32 v9, v0  }
0x158: {  	v12 =	vld [tilespmem:s23+$0x7600]  }
0x159: {  	v0 =	vadd.f32 v10, v0  }
0x15a: {  	v13 =	vld [tilespmem:s23+$0x7800]  }
0x15b: {  	v0 =	vadd.f32 v11, v0  }
0x15c: {  	v14 =	vld [tilespmem:s23+$0x7A00]  }
0x15d: {  	v15 =	vld [tilespmem:s23+$0x8000];
	v0 =	vadd.f32 v12, v0  }
0x15e: {  	v4 =	vld [tilespmem:s23+$0x7C00]  }
0x15f: {  	v16 =	vld [tilespmem:s23+$0x7E00];
	v0 =	vadd.f32 v13, v0  }
0x160: {  	v5 =	vld [tilespmem:s23+$0x3400]  }
0x161: {  	v17 =	vld [tilespmem:$0x8400];
	v0 =	vadd.f32 v14, v0  }
0x162: {  	v6 =	vld [tilespmem:s23+$0x3600]  }
0x163: {  	v18 =	vld [tilespmem:$0x8410];
	v0 =	vadd.f32 v4, v0  }
0x164: {  	v7 =	vld [tilespmem:s23+$0x3800]  }
0x165: {  	v20 =	vld [tilespmem:$0x8420];
	v19 =	vcvt.s32.f32 v5;
	v0 =	vadd.f32 v16, v0  }
0x166: {  	v8 =	vld [tilespmem:s23+$0x3A00]  }
0x167: {  	v22 =	vld [tilespmem:$0x8430];
	v1 =	vmul.f32 v19, v17;
	v21 =	vcvt.s32.f32 v6;
	v0 =	vadd.f32 v15, v0  }
0x168: {  	v23 =	vld [tilespmem:s23+$0x3C00]  }
0x169: {  	v26 =	vld [tilespmem:$0x8440];
	v24 =	vmul.f32 v21, v18;
	v25 =	vcvt.s32.f32 v7;
	v0 =	vadd.f32 v1, v0  }
0x16a: {  	v27 =	vld [tilespmem:s23+$0x3E00]  }
0x16b: {  	v30 =	vld [tilespmem:$0x8450];
	v28 =	vmul.f32 v25, v20;
	v29 =	vcvt.s32.f32 v8;
	v0 =	vadd.f32 v24, v0  }
0x16c: {  	v31 =	vld [tilespmem:s23+$0x4000]  }
0x16d: {  	v34 =	vld [tilespmem:$0x8460];
	v33 =	vcvt.s32.f32 v23;
	v32 =	vmul.f32 v29, v22;
	v0 =	vadd.f32 v28, v0  }
0x16e: {  	v35 =	vld [tilespmem:s23+$0x4200]  }
0x16f: {  	v38 =	vld [tilespmem:$0x8470];
	v37 =	vcvt.s32.f32 v27;
	v36 =	vmul.f32 v33, v26;
	v0 =	vadd.f32 v32, v0  }
0x170: {  	v39 =	vld [tilespmem:s23+$0x4400]  }
0x171: {  	v42 =	vld [tilespmem:$0x8480];
	v41 =	vcvt.s32.f32 v31;
	v40 =	vmul.f32 v37, v30;
	v0 =	vadd.f32 v36, v0  }
0x172: {  	v43 =	vld [tilespmem:s23+$0x4600]  }
0x173: {  	v46 =	vld [tilespmem:$0x8490];
	v45 =	vcvt.s32.f32 v35;
	v44 =	vmul.f32 v41, v34;
	v0 =	vadd.f32 v40, v0  }
0x174: {  	v47 =	vld [tilespmem:s23+$0x4800]  }
0x175: {  	v50 =	vld [tilespmem:$0x84A0];
	v49 =	vcvt.s32.f32 v39;
	v48 =	vmul.f32 v45, v38;
	v0 =	vadd.f32 v44, v0  }
0x176: {  	v51 =	vld [tilespmem:s23+$0x4A00]  }
0x177: {  	v53 =	vcvt.s32.f32 v43;
	v52 =	vmul.f32 v49, v42;
	v54 =	vld [tilespmem:$0x84B0];
	v0 =	vadd.f32 v48, v0  }
0x178: {  	v55 =	vld [tilespmem:s23+$0x4C00]  }
0x179: {  	v56 =	vmul.f32 v53, v46;
	v57 =	vcvt.s32.f32 v47;
	v0 =	vadd.f32 v52, v0  }
0x17a: {  	v58 =	vld [tilespmem:$0x84C0]  }
0x17b: {  	v59 =	vmul.f32 v57, v50;
	v60 =	vcvt.s32.f32 v51;
	v0 =	vadd.f32 v56, v0;
	_ =	sdelay $0x1  }
0x17c: {  	v61 =	vmul.f32 v60, v54;
	v62 =	vcvt.s32.f32 v55;
	v0 =	vadd.f32 v59, v0;
	_ =	sdelay $0x1  }
0x17d: {  	v63 =	vmul.f32 v62, v58;
	v0 =	vadd.f32 v61, v0;
	_ =	sdelay $0x1  }
0x17e: {  	s21 =	sadd.s32 $0x1, s21;
	v0 =	vadd.f32 v63, v0  }
0x17f: {  	s22 =	sadd.s32 $0x10, s22;
	p0 =	sne.s32 s21, s16  }
.Ltmp2:
0x180: {  	s29 =	rddreg [dreg:$0x16];
	s30 =	simm.s32 $0x8200;
	[tilespmem:s22+$0x0] =	vst v0;
	(pc) =	sbr.rel @p0 .LBB2_1-.Ltmp2, $4  }
0x181: {  	[hbm4b:s29+s3] =	stream.linear.scatter [tilespmem:s30], [sflag:$0x3], $0x200, $0x38;
	[tilespmem:$0x8500] =	vst v63  }
0x182: {  	_ =	swait.ge [sflag:s17], $0x200  }
0x183: {  	[sflag:s17] =	ssyncset.done $0x0  }
0x184: {  	[sflag:s17] =	ssyncadd.s32 $0xFFFFFE00  }
0x185: {  	_ =	sfence.sel $0x180000  }
0x186: {  	[bflag:$0x0] =	sbarrier.arrive $0xFFFF  }
0x187: {  	_ =	strace $0x90000047  }
0x188: {  	s0 =	stileid.u32;
	[bflag:$0x2] =	sbarrier.arrive $0xFFFF  }
0x189: {  	p0 =	sne.s32 s0, $0x0;
	s0 =	rddreg [dreg:$0x3]  }
0x18a: {  	s0 =	sadd.s32 @!p0 $0x100000, s0  }
0x18b: {  	[sflag:s0] =	ssyncadd.tile.s32 @!p0 $0x1;
	_ =	shalt  }
.Lfunc_end2:
_tile_overlayer_lowered:
.L_overlay_start_2:
0x18c: {  	(tag) =	ssettag $0x2  }
0x18d: {  	s0 =	rddreg [dreg:$0x0];
	s2 =	stileid.u32  }
0x18e: {  	s1 =	rddreg [dreg:$0x1];
	p0 =	sne.s32 s2, $0x0  }
0x18f: {  	s3 =	rddreg [dreg:$0x2];
	[bflag:$0x3] =	sbarrier.arrive $0xFFFF;
	s2 =	simm.s32 @!p0 $0x1C03  }
0x190: {  	[timem:s3], [sflag:s2] =	dma.local @!p0 [hbm:s0], s1  }
0x191: {  	s0 =	simm.s32 @!p0 $0x3  }
0x192: {  	_ =	swait.ge @!p0 [sflag:s0], s1  }
0x193: {  	s1 =	ssub.s32 @!p0 $0x0, s1;
	[sflag:s0] =	ssyncset.done @!p0 $0x0  }
0x194: {  	[sflag:s0] =	ssyncadd.s32 @!p0 s1  }
0x195: {  	[bflag:$0x3] =	sbarrier.arrive $0xFFFF  }
0x196: {  	_ =	shalt  }

</sc_bundles>
